<compile_context>
chip_gen: v7x
topology: tpu7x:2x2x1
jax: 0.10.2.dev20260603
libtpu: 0.0.44.dev20260713+nightly
codegen_flags: <defaults>
</compile_context>

<pallas_src>
import functools

import jax
import jax.numpy as jnp
from jax import lax
from jax.experimental import pallas as pl
from jax.experimental.pallas import tpu as pltpu
from jax.experimental.pallas import tpu_sc as plsc

N = 10000
E = 320000
D = 128

NC = 2
NS = 16
NW = NC * NS
CHUNK = 128
NCH = E // CHUNK
CH_BASE = NCH // NW
CH_EXTRA = NCH % NW
MAXCH = CH_BASE + 1
NPAD = 10240
WIN = 16


_MB = 512


def _mv_body(wt_ref, x_ref, o_ref):
    o_ref[...] = jax.lax.dot_general(
        wt_ref[...], x_ref[...], (((1,), (1,)), ((), ())),
        preferred_element_type=jnp.float32)


def _support(x, Wt):
    return pl.pallas_call(
        _mv_body,
        out_shape=jax.ShapeDtypeStruct((1, N), jnp.float32),
    )(Wt, x)


def _sc_edge_body(support_hbm, eidx_hbm, ew_hbm, out_hbm,
                  support_v, src_v, dst_v, ew_v, msgs_v, zbuf_v, agg_sh,
                  sem_sup, sem_src, sem_dst, sem_ew, sem_scat):
    cid = lax.axis_index("c")
    sid = lax.axis_index("s")
    wid = sid * NC + cid

    base = wid * CH_BASE + jnp.minimum(wid, CH_EXTRA)
    has_extra = wid < CH_EXTRA
    count = CH_BASE + has_extra.astype(jnp.int32)

    c_sup = pltpu.async_copy(support_hbm.at[0], support_v, sem_sup)
    c_src = pltpu.async_copy(eidx_hbm.at[0, pl.ds(base, CH_BASE), :],
                             src_v.at[pl.ds(0, CH_BASE), :], sem_src)
    c_dst = pltpu.async_copy(eidx_hbm.at[1, pl.ds(base, CH_BASE), :],
                             dst_v.at[pl.ds(0, CH_BASE), :], sem_dst)
    c_ew = pltpu.async_copy(ew_hbm.at[pl.ds(base * CHUNK, CH_BASE * CHUNK)],
                            ew_v.at[pl.ds(0, CH_BASE * CHUNK)], sem_ew)

    @pl.when(has_extra)
    def _():
        pltpu.async_copy(eidx_hbm.at[0, pl.ds(base + CH_BASE, 1), :],
                         src_v.at[pl.ds(CH_BASE, 1), :], sem_src)
        pltpu.async_copy(eidx_hbm.at[1, pl.ds(base + CH_BASE, 1), :],
                         dst_v.at[pl.ds(CH_BASE, 1), :], sem_dst)
        pltpu.async_copy(
            ew_hbm.at[pl.ds((base + CH_BASE) * CHUNK, CHUNK)],
            ew_v.at[pl.ds(CH_BASE * CHUNK, CHUNK)], sem_ew)

    def _z(i, c):
        zbuf_v[pl.ds(i * 16, 16)] = jnp.zeros((16,), jnp.float32)
        return c
    lax.fori_loop(0, NPAD // NS // 16, _z, 0, unroll=True)
    pltpu.sync_copy(zbuf_v, agg_sh.at[pl.ds(sid * (NPAD // NS), NPAD // NS)])

    c_sup.wait()
    c_src.wait()
    c_dst.wait()
    c_ew.wait()

    @pl.when(has_extra)
    def _():
        pltpu.make_async_copy(eidx_hbm.at[0, pl.ds(base + CH_BASE, 1), :],
                              src_v.at[pl.ds(CH_BASE, 1), :], sem_src).wait()
        pltpu.make_async_copy(eidx_hbm.at[1, pl.ds(base + CH_BASE, 1), :],
                              dst_v.at[pl.ds(CH_BASE, 1), :], sem_dst).wait()
        pltpu.make_async_copy(
            ew_hbm.at[pl.ds((base + CH_BASE) * CHUNK, CHUNK)],
            ew_v.at[pl.ds(CH_BASE * CHUNK, CHUNK)], sem_ew).wait()

    plsc.subcore_barrier()

    def _chunk(j, carry):
        for g in range(CHUNK // 16):
            s16 = src_v[j, pl.ds(g * 16, 16)]
            vals = plsc.load_gather(support_v, [s16])
            w16 = ew_v[pl.ds(j * CHUNK + g * 16, 16)]
            msgs_v[j, pl.ds(g * 16, 16)] = vals * w16
        pltpu.async_copy(msgs_v.at[j], agg_sh.at[dst_v.at[j]], sem_scat,
                         add=True)

        @pl.when(j >= WIN)
        def _():
            pltpu.make_async_copy(msgs_v.at[0], agg_sh.at[dst_v.at[0]],
                                  sem_scat).wait()
        return carry

    lax.fori_loop(0, count, _chunk, 0)

    def _drain(j, carry):
        pltpu.make_async_copy(msgs_v.at[0], agg_sh.at[dst_v.at[0]],
                              sem_scat).wait()
        return carry
    lax.fori_loop(0, jnp.minimum(count, WIN), _drain, 0)

    plsc.subcore_barrier()

    sl = NPAD // NS
    pltpu.sync_copy(agg_sh.at[pl.ds(sid * sl, sl)],
                    out_hbm.at[cid, pl.ds(sid * sl, sl)])


_sc_edge = functools.partial(
    pl.kernel,
    out_type=jax.ShapeDtypeStruct((NC, NPAD), jnp.float32),
    mesh=plsc.VectorSubcoreMesh(core_axis_name="c", subcore_axis_name="s"),
    scratch_types=[
        pltpu.VMEM((N,), jnp.float32),
        pltpu.VMEM((MAXCH, CHUNK), jnp.int32),
        pltpu.VMEM((MAXCH, CHUNK), jnp.int32),
        pltpu.VMEM((MAXCH * CHUNK,), jnp.float32),
        pltpu.VMEM((MAXCH, CHUNK), jnp.float32),
        pltpu.VMEM((NPAD // NS,), jnp.float32),
        pltpu.VMEM_SHARED((NPAD,), jnp.float32),
        pltpu.SemaphoreType.DMA,
        pltpu.SemaphoreType.DMA,
        pltpu.SemaphoreType.DMA,
        pltpu.SemaphoreType.DMA,
        pltpu.SemaphoreType.DMA,
    ],
    compiler_params=pltpu.CompilerParams(needs_layout_passes=False,
                                         use_tc_tiling_on_sc=False),
)(_sc_edge_body)


_RB = 2048
_RT = _RB // D


def _scale_body(x_ref, agg_ref, b_ref, eye_ref, o_ref):
    a = agg_ref[0] + agg_ref[1] + b_ref[0]
    attn = jnp.tanh(a)
    t = jax.lax.dot_general(eye_ref[...], attn, (((1,), (1,)), ((), ())),
                            preferred_element_type=jnp.float32,
                            precision=jax.lax.Precision.HIGHEST)
    for r in range(_RT):
        o_ref[pl.ds(r * D, D), :] = (
            x_ref[pl.ds(r * D, D), :] * t[:, r:r + 1])


def _scale(x, agg3, b, eye):
    grid = -(-N // _RB)
    return pl.pallas_call(
        _scale_body,
        grid=(grid,),
        in_specs=[
            pl.BlockSpec((_RB, D), lambda i: (i, 0)),
            pl.BlockSpec((NC, _RT, D), lambda i: (0, i, 0)),
            pl.BlockSpec(memory_space=pltpu.SMEM),
            pl.BlockSpec((D, D), lambda i: (0, 0)),
        ],
        out_specs=pl.BlockSpec((_RB, D), lambda i: (i, 0)),
        out_shape=jax.ShapeDtypeStruct((N, D), jnp.float32),
    )(x, agg3, b, eye)


def kernel(x, edge_index, edge_weight, W, b):
    eidx3 = edge_index.astype(jnp.int32).reshape(2, NCH, CHUNK)
    support = _support(x, W.reshape(1, D))
    agg2 = _sc_edge(support, eidx3, edge_weight)
    agg3 = agg2.reshape(NC, NPAD // D, D)
    return _scale(x, agg3, b, jnp.eye(D, dtype=jnp.float32))

# --- scband reference (transcript-rebuilt; emitter-appended) ---
"""Pipeline reference for scband-self-attention-pooling-58334245814474 (READ-ONLY COPY).

The authoritative reference and input builder live on the scoring server;
editing this copy changes nothing except your own understanding.
"""

import jax, jax.numpy as jnp
import numpy as np

N = 10000
E = 320000
D = 128

def setup_inputs(seed: int = 0) -> dict:
    key = jax.random.key(seed)
    k1, k2, k3, k4 = jax.random.split(key, 4)
    x = jax.random.normal(k1, (N, D), dtype=jnp.float32)
    edge_index = jax.random.randint(k2, (2, E), 0, N).astype(jnp.int64)
    edge_weight = jax.random.uniform(k3, (E,), dtype=jnp.float32)
    # GraphConvolution(input_dim=128, out=1) learned parameters
    W = jax.random.normal(k4, (D, 1), dtype=jnp.float32) * (1.0 / np.sqrt(D))
    b = jnp.zeros((1,), dtype=jnp.float32)
    return {"x": x, "edge_index": edge_index, "edge_weight": edge_weight, "W": W, "b": b}

def reference(x, edge_index, edge_weight, W, b):
    # GraphConvolution: support = x @ W; out = spmm(adj, support) + b
    support = x @ W                                  # [N, 1]
    src = edge_index[0]
    dst = edge_index[1]
    msgs = support[src] * edge_weight[:, None]        # gather [E, 1]
    agg = jax.ops.segment_sum(msgs, dst, num_segments=N)  # scatter-add [N, 1]
    attn = agg + b
    # SelfAttentionPooling: tanh gate, elementwise scale of node features
    attn_score = jnp.tanh(jnp.squeeze(attn))          # [N]
    hidden = x * attn_score[:, None]                  # [N, D]
    return hidden

if __name__ == "__main__":
    import jax
    _d = setup_inputs()
    print(jax.jit(kernel)(*tuple(_d.values())))

</pallas_src>

<mosaic_0001>
#map = affine_map<(d0, d1) -> (0, 0)>
#map1 = affine_map<(d0, d1) -> (0, 0, 0)>
#map2 = affine_map<(d0, d1) -> (0)>
module attributes {stable_mosaic.version = 14 : i64} {
  func.func @_sc_edge_body(%arg0: i32, %arg1: i32, %arg2: memref<1x10000xf32, #tpu.memory_space<hbm>>, %arg3: memref<2x2500x128xi32, #tpu.memory_space<hbm>>, %arg4: memref<320000xf32, #tpu.memory_space<hbm>>, %arg5: memref<2x10240xf32, #tpu.memory_space<hbm>>, %arg6: memref<10000xf32, #tpu.memory_space<vmem>>, %arg7: memref<79x128xi32, #tpu.memory_space<vmem>>, %arg8: memref<79x128xi32, #tpu.memory_space<vmem>>, %arg9: memref<10112xf32, #tpu.memory_space<vmem>>, %arg10: memref<79x128xf32, #tpu.memory_space<vmem>>, %arg11: memref<640xf32, #tpu.memory_space<vmem>>, %arg12: memref<10240xf32, #tpu.memory_space<vmem_shared>>, %arg13: memref<!tpu.dma_semaphore, #tpu.memory_space<semaphore_mem>>, %arg14: memref<!tpu.dma_semaphore, #tpu.memory_space<semaphore_mem>>, %arg15: memref<!tpu.dma_semaphore, #tpu.memory_space<semaphore_mem>>, %arg16: memref<!tpu.dma_semaphore, #tpu.memory_space<semaphore_mem>>, %arg17: memref<!tpu.dma_semaphore, #tpu.memory_space<semaphore_mem>>) attributes {dimension_semantics = [#tpu.dimension_semantics<core_parallel>, #tpu.dimension_semantics<subcore_parallel>], iteration_bounds = array<i64: 2, 16>, scalar_prefetch = 0 : i64, scratch_operands = 12 : i64, tpu.core_type = #tpu.core_type<sc_vector_subcore>, window_params = [{transform_indices = #map}, {transform_indices = #map1}, {transform_indices = #map2}, {transform_indices = #map}]} {
    %mul3A = arith.constant 2 : i32
    %mul3A_0 = arith.muli %arg1, %mul3A : i32
    %add3A = arith.addi %mul3A_0, %arg0 : i32
    %mul3A_1 = arith.constant 78 : i32
    %mul3A_2 = arith.muli %add3A, %mul3A_1 : i32
    %min3A = arith.constant 4 : i32
    %min3A_3 = arith.minsi %add3A, %min3A : i32
    %add3A_4 = arith.addi %mul3A_2, %min3A_3 : i32
    %lt3A = arith.constant 4 : i32
    %lt3A_5 = arith.cmpi slt, %add3A, %lt3A : i32
    %convert_element_type3A = arith.extui %lt3A_5 : i1 to i32
    %add3A_6 = arith.constant 78 : i32
    %add3A_7 = arith.addi %add3A_6, %convert_element_type3A : i32
    %dma_start3A = arith.constant 0 : i32
    %dma_start3A_8 = arith.constant 0 : i32
    %dma_start3A_9 = tpu.memref_slice %arg2[%dma_start3A, %dma_start3A_8] : memref<1x10000xf32, #tpu.memory_space<hbm>> -> memref<1x10000xf32, #tpu.memory_space<hbm>>
    %dma_start3A_10 = tpu.memref_squeeze %dma_start3A_9 : memref<1x10000xf32, #tpu.memory_space<hbm>> -> memref<10000xf32, #tpu.memory_space<hbm>>
    %dma_start3A_11 = arith.constant 0 : i32
    %dma_start3A_12 = tpu.memref_slice %arg2[%dma_start3A, %dma_start3A_11] : memref<1x10000xf32, #tpu.memory_space<hbm>> -> memref<1x10000xf32, #tpu.memory_space<hbm>>
    %dma_start3A_13 = tpu.memref_squeeze %dma_start3A_12 : memref<1x10000xf32, #tpu.memory_space<hbm>> -> memref<10000xf32, #tpu.memory_space<hbm>>
    tpu.enqueue_dma source(%dma_start3A_13 : memref<10000xf32, #tpu.memory_space<hbm>>) target(%arg6 : memref<10000xf32, #tpu.memory_space<vmem>>) target_semaphore(%arg13 : memref<!tpu.dma_semaphore, #tpu.memory_space<semaphore_mem>>)
    %dma_start3A_14 = arith.constant 0 : i32
    %dma_start3A_15 = arith.constant 0 : i32
    %dma_start3A_16 = arith.constant 0 : i32
    %dma_start3A_17 = tpu.memref_slice %arg7[%dma_start3A_15, %dma_start3A_16] : memref<79x128xi32, #tpu.memory_space<vmem>> -> memref<78x128xi32, #tpu.memory_space<vmem>>
    %dma_start3A_18 = arith.constant 0 : i32
    %dma_start3A_19 = tpu.memref_slice %arg3[%dma_start3A_14, %add3A_4, %dma_start3A_18] : memref<2x2500x128xi32, #tpu.memory_space<hbm>> -> memref<1x78x128xi32, #tpu.memory_space<hbm>>
    %dma_start3A_20 = tpu.memref_squeeze %dma_start3A_19 : memref<1x78x128xi32, #tpu.memory_space<hbm>> -> memref<78x128xi32, #tpu.memory_space<hbm>>
    %dma_start3A_21 = arith.constant 0 : i32
    %dma_start3A_22 = arith.constant 0 : i32
    %dma_start3A_23 = tpu.memref_slice %arg7[%dma_start3A_21, %dma_start3A_22] : memref<79x128xi32, #tpu.memory_space<vmem>> -> memref<78x128xi32, #tpu.memory_space<vmem>>
    %dma_start3A_24 = arith.constant 0 : i32
    %dma_start3A_25 = tpu.memref_slice %arg3[%dma_start3A_14, %add3A_4, %dma_start3A_24] : memref<2x2500x128xi32, #tpu.memory_space<hbm>> -> memref<1x78x128xi32, #tpu.memory_space<hbm>>
    %dma_start3A_26 = tpu.memref_squeeze %dma_start3A_25 : memref<1x78x128xi32, #tpu.memory_space<hbm>> -> memref<78x128xi32, #tpu.memory_space<hbm>>
    tpu.enqueue_dma source(%dma_start3A_26 : memref<78x128xi32, #tpu.memory_space<hbm>>) target(%dma_start3A_23 : memref<78x128xi32, #tpu.memory_space<vmem>>) target_semaphore(%arg14 : memref<!tpu.dma_semaphore, #tpu.memory_space<semaphore_mem>>)
    %dma_start3A_27 = arith.constant 1 : i32
    %dma_start3A_28 = arith.constant 0 : i32
    %dma_start3A_29 = arith.constant 0 : i32
    %dma_start3A_30 = tpu.memref_slice %arg8[%dma_start3A_28, %dma_start3A_29] : memref<79x128xi32, #tpu.memory_space<vmem>> -> memref<78x128xi32, #tpu.memory_space<vmem>>
    %dma_start3A_31 = arith.constant 0 : i32
    %dma_start3A_32 = tpu.memref_slice %arg3[%dma_start3A_27, %add3A_4, %dma_start3A_31] : memref<2x2500x128xi32, #tpu.memory_space<hbm>> -> memref<1x78x128xi32, #tpu.memory_space<hbm>>
    %dma_start3A_33 = tpu.memref_squeeze %dma_start3A_32 : memref<1x78x128xi32, #tpu.memory_space<hbm>> -> memref<78x128xi32, #tpu.memory_space<hbm>>
    %dma_start3A_34 = arith.constant 0 : i32
    %dma_start3A_35 = arith.constant 0 : i32
    %dma_start3A_36 = tpu.memref_slice %arg8[%dma_start3A_34, %dma_start3A_35] : memref<79x128xi32, #tpu.memory_space<vmem>> -> memref<78x128xi32, #tpu.memory_space<vmem>>
    %dma_start3A_37 = arith.constant 0 : i32
    %dma_start3A_38 = tpu.memref_slice %arg3[%dma_start3A_27, %add3A_4, %dma_start3A_37] : memref<2x2500x128xi32, #tpu.memory_space<hbm>> -> memref<1x78x128xi32, #tpu.memory_space<hbm>>
    %dma_start3A_39 = tpu.memref_squeeze %dma_start3A_38 : memref<1x78x128xi32, #tpu.memory_space<hbm>> -> memref<78x128xi32, #tpu.memory_space<hbm>>
    tpu.enqueue_dma source(%dma_start3A_39 : memref<78x128xi32, #tpu.memory_space<hbm>>) target(%dma_start3A_36 : memref<78x128xi32, #tpu.memory_space<vmem>>) target_semaphore(%arg15 : memref<!tpu.dma_semaphore, #tpu.memory_space<semaphore_mem>>)
    %mul3A_40 = arith.constant 128 : i32
    %mul3A_41 = arith.muli %add3A_4, %mul3A_40 : i32
    %dma_start3A_42 = arith.constant 0 : i32
    %dma_start3A_43 = tpu.memref_slice %arg9[%dma_start3A_42] : memref<10112xf32, #tpu.memory_space<vmem>> -> memref<9984xf32, #tpu.memory_space<vmem>>
    %dma_start3A_44 = tpu.memref_slice %arg4[%mul3A_41] : memref<320000xf32, #tpu.memory_space<hbm>> -> memref<9984xf32, #tpu.memory_space<hbm>>
    %dma_start3A_45 = arith.constant 0 : i32
    %dma_start3A_46 = tpu.memref_slice %arg9[%dma_start3A_45] : memref<10112xf32, #tpu.memory_space<vmem>> -> memref<9984xf32, #tpu.memory_space<vmem>>
    %dma_start3A_47 = tpu.memref_slice %arg4[%mul3A_41] : memref<320000xf32, #tpu.memory_space<hbm>> -> memref<9984xf32, #tpu.memory_space<hbm>>
    tpu.enqueue_dma source(%dma_start3A_47 : memref<9984xf32, #tpu.memory_space<hbm>>) target(%dma_start3A_46 : memref<9984xf32, #tpu.memory_space<vmem>>) target_semaphore(%arg16 : memref<!tpu.dma_semaphore, #tpu.memory_space<semaphore_mem>>)
    %convert_element_type3A_48 = arith.extui %lt3A_5 : i1 to i32
    %cond3A = arith.constant 0 : i32
    %cond3A_49 = arith.cmpi ne, %convert_element_type3A_48, %cond3A : i32
    scf.if %cond3A_49 {
      %add3A_398 = arith.constant 78 : i32
      %add3A_399 = arith.addi %add3A_4, %add3A_398 : i32
      %dma_start3A_400 = arith.constant 0 : i32
      %dma_start3A_401 = arith.constant 78 : i32
      %dma_start3A_402 = arith.constant 0 : i32
      %dma_start3A_403 = tpu.memref_slice %arg7[%dma_start3A_401, %dma_start3A_402] : memref<79x128xi32, #tpu.memory_space<vmem>> -> memref<1x128xi32, #tpu.memory_space<vmem>>
      %dma_start3A_404 = arith.constant 0 : i32
      %dma_start3A_405 = tpu.memref_slice %arg3[%dma_start3A_400, %add3A_399, %dma_start3A_404] : memref<2x2500x128xi32, #tpu.memory_space<hbm>> -> memref<1x1x128xi32, #tpu.memory_space<hbm>>
      %dma_start3A_406 = tpu.memref_squeeze %dma_start3A_405 : memref<1x1x128xi32, #tpu.memory_space<hbm>> -> memref<1x128xi32, #tpu.memory_space<hbm>>
      %dma_start3A_407 = arith.constant 78 : i32
      %dma_start3A_408 = arith.constant 0 : i32
      %dma_start3A_409 = tpu.memref_slice %arg7[%dma_start3A_407, %dma_start3A_408] : memref<79x128xi32, #tpu.memory_space<vmem>> -> memref<1x128xi32, #tpu.memory_space<vmem>>
      %dma_start3A_410 = arith.constant 0 : i32
      %dma_start3A_411 = tpu.memref_slice %arg3[%dma_start3A_400, %add3A_399, %dma_start3A_410] : memref<2x2500x128xi32, #tpu.memory_space<hbm>> -> memref<1x1x128xi32, #tpu.memory_space<hbm>>
      %dma_start3A_412 = tpu.memref_squeeze %dma_start3A_411 : memref<1x1x128xi32, #tpu.memory_space<hbm>> -> memref<1x128xi32, #tpu.memory_space<hbm>>
      tpu.enqueue_dma source(%dma_start3A_412 : memref<1x128xi32, #tpu.memory_space<hbm>>) target(%dma_start3A_409 : memref<1x128xi32, #tpu.memory_space<vmem>>) target_semaphore(%arg14 : memref<!tpu.dma_semaphore, #tpu.memory_space<semaphore_mem>>)
      %add3A_413 = arith.constant 78 : i32
      %add3A_414 = arith.addi %add3A_4, %add3A_413 : i32
      %dma_start3A_415 = arith.constant 1 : i32
      %dma_start3A_416 = arith.constant 78 : i32
      %dma_start3A_417 = arith.constant 0 : i32
      %dma_start3A_418 = tpu.memref_slice %arg8[%dma_start3A_416, %dma_start3A_417] : memref<79x128xi32, #tpu.memory_space<vmem>> -> memref<1x128xi32, #tpu.memory_space<vmem>>
      %dma_start3A_419 = arith.constant 0 : i32
      %dma_start3A_420 = tpu.memref_slice %arg3[%dma_start3A_415, %add3A_414, %dma_start3A_419] : memref<2x2500x128xi32, #tpu.memory_space<hbm>> -> memref<1x1x128xi32, #tpu.memory_space<hbm>>
      %dma_start3A_421 = tpu.memref_squeeze %dma_start3A_420 : memref<1x1x128xi32, #tpu.memory_space<hbm>> -> memref<1x128xi32, #tpu.memory_space<hbm>>
      %dma_start3A_422 = arith.constant 78 : i32
      %dma_start3A_423 = arith.constant 0 : i32
      %dma_start3A_424 = tpu.memref_slice %arg8[%dma_start3A_422, %dma_start3A_423] : memref<79x128xi32, #tpu.memory_space<vmem>> -> memref<1x128xi32, #tpu.memory_space<vmem>>
      %dma_start3A_425 = arith.constant 0 : i32
      %dma_start3A_426 = tpu.memref_slice %arg3[%dma_start3A_415, %add3A_414, %dma_start3A_425] : memref<2x2500x128xi32, #tpu.memory_space<hbm>> -> memref<1x1x128xi32, #tpu.memory_space<hbm>>
      %dma_start3A_427 = tpu.memref_squeeze %dma_start3A_426 : memref<1x1x128xi32, #tpu.memory_space<hbm>> -> memref<1x128xi32, #tpu.memory_space<hbm>>
      tpu.enqueue_dma source(%dma_start3A_427 : memref<1x128xi32, #tpu.memory_space<hbm>>) target(%dma_start3A_424 : memref<1x128xi32, #tpu.memory_space<vmem>>) target_semaphore(%arg15 : memref<!tpu.dma_semaphore, #tpu.memory_space<semaphore_mem>>)
      %add3A_428 = arith.constant 78 : i32
      %add3A_429 = arith.addi %add3A_4, %add3A_428 : i32
      %mul3A_430 = arith.constant 128 : i32
      %mul3A_431 = arith.muli %add3A_429, %mul3A_430 : i32
      %dma_start3A_432 = arith.constant 9984 : i32
      %dma_start3A_433 = tpu.memref_slice %arg9[%dma_start3A_432] : memref<10112xf32, #tpu.memory_space<vmem>> -> memref<128xf32, #tpu.memory_space<vmem>>
      %dma_start3A_434 = tpu.memref_slice %arg4[%mul3A_431] : memref<320000xf32, #tpu.memory_space<hbm>> -> memref<128xf32, #tpu.memory_space<hbm>>
      %dma_start3A_435 = arith.constant 9984 : i32
      %dma_start3A_436 = tpu.memref_slice %arg9[%dma_start3A_435] : memref<10112xf32, #tpu.memory_space<vmem>> -> memref<128xf32, #tpu.memory_space<vmem>>
      %dma_start3A_437 = tpu.memref_slice %arg4[%mul3A_431] : memref<320000xf32, #tpu.memory_space<hbm>> -> memref<128xf32, #tpu.memory_space<hbm>>
      tpu.enqueue_dma source(%dma_start3A_437 : memref<128xf32, #tpu.memory_space<hbm>>) target(%dma_start3A_436 : memref<128xf32, #tpu.memory_space<vmem>>) target_semaphore(%arg16 : memref<!tpu.dma_semaphore, #tpu.memory_space<semaphore_mem>>)
    } else {
    }
    %scan3A = arith.constant 0 : i32
    %scan3A_50 = arith.constant 0 : i32
    %broadcast_in_dim3A = arith.constant 0.000000e+00 : f32
    %broadcast_in_dim3A_51 = vector.broadcast %broadcast_in_dim3A : f32 to vector<16xf32>
    %mul3A_52 = arith.constant 16 : i32
    %mul3A_53 = arith.muli %scan3A_50, %mul3A_52 : i32
    %swap3A = arith.index_cast %mul3A_53 : i32 to index
    %swap3A_54 = tpu.vector_load %arg11[%swap3A] {strides = array<i32>} : memref<640xf32, #tpu.memory_space<vmem>>, vector<16xf32>,
    tpu.vector_store %arg11[%swap3A], %broadcast_in_dim3A_51 {strides = array<i32>} : memref<640xf32, #tpu.memory_space<vmem>>, vector<16xf32>,
    %scan3A_55 = arith.constant 1 : i32
    %broadcast_in_dim3A_56 = arith.constant 0.000000e+00 : f32
    %broadcast_in_dim3A_57 = vector.broadcast %broadcast_in_dim3A_56 : f32 to vector<16xf32>
    %mul3A_58 = arith.constant 16 : i32
    %mul3A_59 = arith.muli %scan3A_55, %mul3A_58 : i32
    %swap3A_60 = arith.index_cast %mul3A_59 : i32 to index
    %swap3A_61 = tpu.vector_load %arg11[%swap3A_60] {strides = array<i32>} : memref<640xf32, #tpu.memory_space<vmem>>, vector<16xf32>,
    tpu.vector_store %arg11[%swap3A_60], %broadcast_in_dim3A_57 {strides = array<i32>} : memref<640xf32, #tpu.memory_space<vmem>>, vector<16xf32>,
    %scan3A_62 = arith.constant 2 : i32
    %broadcast_in_dim3A_63 = arith.constant 0.000000e+00 : f32
    %broadcast_in_dim3A_64 = vector.broadcast %broadcast_in_dim3A_63 : f32 to vector<16xf32>
    %mul3A_65 = arith.constant 16 : i32
    %mul3A_66 = arith.muli %scan3A_62, %mul3A_65 : i32
    %swap3A_67 = arith.index_cast %mul3A_66 : i32 to index
    %swap3A_68 = tpu.vector_load %arg11[%swap3A_67] {strides = array<i32>} : memref<640xf32, #tpu.memory_space<vmem>>, vector<16xf32>,
    tpu.vector_store %arg11[%swap3A_67], %broadcast_in_dim3A_64 {strides = array<i32>} : memref<640xf32, #tpu.memory_space<vmem>>, vector<16xf32>,
    %scan3A_69 = arith.constant 3 : i32
    %broadcast_in_dim3A_70 = arith.constant 0.000000e+00 : f32
    %broadcast_in_dim3A_71 = vector.broadcast %broadcast_in_dim3A_70 : f32 to vector<16xf32>
    %mul3A_72 = arith.constant 16 : i32
    %mul3A_73 = arith.muli %scan3A_69, %mul3A_72 : i32
    %swap3A_74 = arith.index_cast %mul3A_73 : i32 to index
    %swap3A_75 = tpu.vector_load %arg11[%swap3A_74] {strides = array<i32>} : memref<640xf32, #tpu.memory_space<vmem>>, vector<16xf32>,
    tpu.vector_store %arg11[%swap3A_74], %broadcast_in_dim3A_71 {strides = array<i32>} : memref<640xf32, #tpu.memory_space<vmem>>, vector<16xf32>,
    %scan3A_76 = arith.constant 4 : i32
    %broadcast_in_dim3A_77 = arith.constant 0.000000e+00 : f32
    %broadcast_in_dim3A_78 = vector.broadcast %broadcast_in_dim3A_77 : f32 to vector<16xf32>
    %mul3A_79 = arith.constant 16 : i32
    %mul3A_80 = arith.muli %scan3A_76, %mul3A_79 : i32
    %swap3A_81 = arith.index_cast %mul3A_80 : i32 to index
    %swap3A_82 = tpu.vector_load %arg11[%swap3A_81] {strides = array<i32>} : memref<640xf32, #tpu.memory_space<vmem>>, vector<16xf32>,
    tpu.vector_store %arg11[%swap3A_81], %broadcast_in_dim3A_78 {strides = array<i32>} : memref<640xf32, #tpu.memory_space<vmem>>, vector<16xf32>,
    %scan3A_83 = arith.constant 5 : i32
    %broadcast_in_dim3A_84 = arith.constant 0.000000e+00 : f32
    %broadcast_in_dim3A_85 = vector.broadcast %broadcast_in_dim3A_84 : f32 to vector<16xf32>
    %mul3A_86 = arith.constant 16 : i32
    %mul3A_87 = arith.muli %scan3A_83, %mul3A_86 : i32
    %swap3A_88 = arith.index_cast %mul3A_87 : i32 to index
    %swap3A_89 = tpu.vector_load %arg11[%swap3A_88] {strides = array<i32>} : memref<640xf32, #tpu.memory_space<vmem>>, vector<16xf32>,
    tpu.vector_store %arg11[%swap3A_88], %broadcast_in_dim3A_85 {strides = array<i32>} : memref<640xf32, #tpu.memory_space<vmem>>, vector<16xf32>,
    %scan3A_90 = arith.constant 6 : i32
    %broadcast_in_dim3A_91 = arith.constant 0.000000e+00 : f32
    %broadcast_in_dim3A_92 = vector.broadcast %broadcast_in_dim3A_91 : f32 to vector<16xf32>
    %mul3A_93 = arith.constant 16 : i32
    %mul3A_94 = arith.muli %scan3A_90, %mul3A_93 : i32
    %swap3A_95 = arith.index_cast %mul3A_94 : i32 to index
    %swap3A_96 = tpu.vector_load %arg11[%swap3A_95] {strides = array<i32>} : memref<640xf32, #tpu.memory_space<vmem>>, vector<16xf32>,
    tpu.vector_store %arg11[%swap3A_95], %broadcast_in_dim3A_92 {strides = array<i32>} : memref<640xf32, #tpu.memory_space<vmem>>, vector<16xf32>,
    %scan3A_97 = arith.constant 7 : i32
    %broadcast_in_dim3A_98 = arith.constant 0.000000e+00 : f32
    %broadcast_in_dim3A_99 = vector.broadcast %broadcast_in_dim3A_98 : f32 to vector<16xf32>
    %mul3A_100 = arith.constant 16 : i32
    %mul3A_101 = arith.muli %scan3A_97, %mul3A_100 : i32
    %swap3A_102 = arith.index_cast %mul3A_101 : i32 to index
    %swap3A_103 = tpu.vector_load %arg11[%swap3A_102] {strides = array<i32>} : memref<640xf32, #tpu.memory_space<vmem>>, vector<16xf32>,
    tpu.vector_store %arg11[%swap3A_102], %broadcast_in_dim3A_99 {strides = array<i32>} : memref<640xf32, #tpu.memory_space<vmem>>, vector<16xf32>,
    %scan3A_104 = arith.constant 8 : i32
    %broadcast_in_dim3A_105 = arith.constant 0.000000e+00 : f32
    %broadcast_in_dim3A_106 = vector.broadcast %broadcast_in_dim3A_105 : f32 to vector<16xf32>
    %mul3A_107 = arith.constant 16 : i32
    %mul3A_108 = arith.muli %scan3A_104, %mul3A_107 : i32
    %swap3A_109 = arith.index_cast %mul3A_108 : i32 to index
    %swap3A_110 = tpu.vector_load %arg11[%swap3A_109] {strides = array<i32>} : memref<640xf32, #tpu.memory_space<vmem>>, vector<16xf32>,
    tpu.vector_store %arg11[%swap3A_109], %broadcast_in_dim3A_106 {strides = array<i32>} : memref<640xf32, #tpu.memory_space<vmem>>, vector<16xf32>,
    %scan3A_111 = arith.constant 9 : i32
    %broadcast_in_dim3A_112 = arith.constant 0.000000e+00 : f32
    %broadcast_in_dim3A_113 = vector.broadcast %broadcast_in_dim3A_112 : f32 to vector<16xf32>
    %mul3A_114 = arith.constant 16 : i32
    %mul3A_115 = arith.muli %scan3A_111, %mul3A_114 : i32
    %swap3A_116 = arith.index_cast %mul3A_115 : i32 to index
    %swap3A_117 = tpu.vector_load %arg11[%swap3A_116] {strides = array<i32>} : memref<640xf32, #tpu.memory_space<vmem>>, vector<16xf32>,
    tpu.vector_store %arg11[%swap3A_116], %broadcast_in_dim3A_113 {strides = array<i32>} : memref<640xf32, #tpu.memory_space<vmem>>, vector<16xf32>,
    %scan3A_118 = arith.constant 10 : i32
    %broadcast_in_dim3A_119 = arith.constant 0.000000e+00 : f32
    %broadcast_in_dim3A_120 = vector.broadcast %broadcast_in_dim3A_119 : f32 to vector<16xf32>
    %mul3A_121 = arith.constant 16 : i32
    %mul3A_122 = arith.muli %scan3A_118, %mul3A_121 : i32
    %swap3A_123 = arith.index_cast %mul3A_122 : i32 to index
    %swap3A_124 = tpu.vector_load %arg11[%swap3A_123] {strides = array<i32>} : memref<640xf32, #tpu.memory_space<vmem>>, vector<16xf32>,
    tpu.vector_store %arg11[%swap3A_123], %broadcast_in_dim3A_120 {strides = array<i32>} : memref<640xf32, #tpu.memory_space<vmem>>, vector<16xf32>,
    %scan3A_125 = arith.constant 11 : i32
    %broadcast_in_dim3A_126 = arith.constant 0.000000e+00 : f32
    %broadcast_in_dim3A_127 = vector.broadcast %broadcast_in_dim3A_126 : f32 to vector<16xf32>
    %mul3A_128 = arith.constant 16 : i32
    %mul3A_129 = arith.muli %scan3A_125, %mul3A_128 : i32
    %swap3A_130 = arith.index_cast %mul3A_129 : i32 to index
    %swap3A_131 = tpu.vector_load %arg11[%swap3A_130] {strides = array<i32>} : memref<640xf32, #tpu.memory_space<vmem>>, vector<16xf32>,
    tpu.vector_store %arg11[%swap3A_130], %broadcast_in_dim3A_127 {strides = array<i32>} : memref<640xf32, #tpu.memory_space<vmem>>, vector<16xf32>,
    %scan3A_132 = arith.constant 12 : i32
    %broadcast_in_dim3A_133 = arith.constant 0.000000e+00 : f32
    %broadcast_in_dim3A_134 = vector.broadcast %broadcast_in_dim3A_133 : f32 to vector<16xf32>
    %mul3A_135 = arith.constant 16 : i32
    %mul3A_136 = arith.muli %scan3A_132, %mul3A_135 : i32
    %swap3A_137 = arith.index_cast %mul3A_136 : i32 to index
    %swap3A_138 = tpu.vector_load %arg11[%swap3A_137] {strides = array<i32>} : memref<640xf32, #tpu.memory_space<vmem>>, vector<16xf32>,
    tpu.vector_store %arg11[%swap3A_137], %broadcast_in_dim3A_134 {strides = array<i32>} : memref<640xf32, #tpu.memory_space<vmem>>, vector<16xf32>,
    %scan3A_139 = arith.constant 13 : i32
    %broadcast_in_dim3A_140 = arith.constant 0.000000e+00 : f32
    %broadcast_in_dim3A_141 = vector.broadcast %broadcast_in_dim3A_140 : f32 to vector<16xf32>
    %mul3A_142 = arith.constant 16 : i32
    %mul3A_143 = arith.muli %scan3A_139, %mul3A_142 : i32
    %swap3A_144 = arith.index_cast %mul3A_143 : i32 to index
    %swap3A_145 = tpu.vector_load %arg11[%swap3A_144] {strides = array<i32>} : memref<640xf32, #tpu.memory_space<vmem>>, vector<16xf32>,
    tpu.vector_store %arg11[%swap3A_144], %broadcast_in_dim3A_141 {strides = array<i32>} : memref<640xf32, #tpu.memory_space<vmem>>, vector<16xf32>,
    %scan3A_146 = arith.constant 14 : i32
    %broadcast_in_dim3A_147 = arith.constant 0.000000e+00 : f32
    %broadcast_in_dim3A_148 = vector.broadcast %broadcast_in_dim3A_147 : f32 to vector<16xf32>
    %mul3A_149 = arith.constant 16 : i32
    %mul3A_150 = arith.muli %scan3A_146, %mul3A_149 : i32
    %swap3A_151 = arith.index_cast %mul3A_150 : i32 to index
    %swap3A_152 = tpu.vector_load %arg11[%swap3A_151] {strides = array<i32>} : memref<640xf32, #tpu.memory_space<vmem>>, vector<16xf32>,
    tpu.vector_store %arg11[%swap3A_151], %broadcast_in_dim3A_148 {strides = array<i32>} : memref<640xf32, #tpu.memory_space<vmem>>, vector<16xf32>,
    %scan3A_153 = arith.constant 15 : i32
    %broadcast_in_dim3A_154 = arith.constant 0.000000e+00 : f32
    %broadcast_in_dim3A_155 = vector.broadcast %broadcast_in_dim3A_154 : f32 to vector<16xf32>
    %mul3A_156 = arith.constant 16 : i32
    %mul3A_157 = arith.muli %scan3A_153, %mul3A_156 : i32
    %swap3A_158 = arith.index_cast %mul3A_157 : i32 to index
    %swap3A_159 = tpu.vector_load %arg11[%swap3A_158] {strides = array<i32>} : memref<640xf32, #tpu.memory_space<vmem>>, vector<16xf32>,
    tpu.vector_store %arg11[%swap3A_158], %broadcast_in_dim3A_155 {strides = array<i32>} : memref<640xf32, #tpu.memory_space<vmem>>, vector<16xf32>,
    %scan3A_160 = arith.constant 16 : i32
    %broadcast_in_dim3A_161 = arith.constant 0.000000e+00 : f32
    %broadcast_in_dim3A_162 = vector.broadcast %broadcast_in_dim3A_161 : f32 to vector<16xf32>
    %mul3A_163 = arith.constant 16 : i32
    %mul3A_164 = arith.muli %scan3A_160, %mul3A_163 : i32
    %swap3A_165 = arith.index_cast %mul3A_164 : i32 to index
    %swap3A_166 = tpu.vector_load %arg11[%swap3A_165] {strides = array<i32>} : memref<640xf32, #tpu.memory_space<vmem>>, vector<16xf32>,
    tpu.vector_store %arg11[%swap3A_165], %broadcast_in_dim3A_162 {strides = array<i32>} : memref<640xf32, #tpu.memory_space<vmem>>, vector<16xf32>,
    %scan3A_167 = arith.constant 17 : i32
    %broadcast_in_dim3A_168 = arith.constant 0.000000e+00 : f32
    %broadcast_in_dim3A_169 = vector.broadcast %broadcast_in_dim3A_168 : f32 to vector<16xf32>
    %mul3A_170 = arith.constant 16 : i32
    %mul3A_171 = arith.muli %scan3A_167, %mul3A_170 : i32
    %swap3A_172 = arith.index_cast %mul3A_171 : i32 to index
    %swap3A_173 = tpu.vector_load %arg11[%swap3A_172] {strides = array<i32>} : memref<640xf32, #tpu.memory_space<vmem>>, vector<16xf32>,
    tpu.vector_store %arg11[%swap3A_172], %broadcast_in_dim3A_169 {strides = array<i32>} : memref<640xf32, #tpu.memory_space<vmem>>, vector<16xf32>,
    %scan3A_174 = arith.constant 18 : i32
    %broadcast_in_dim3A_175 = arith.constant 0.000000e+00 : f32
    %broadcast_in_dim3A_176 = vector.broadcast %broadcast_in_dim3A_175 : f32 to vector<16xf32>
    %mul3A_177 = arith.constant 16 : i32
    %mul3A_178 = arith.muli %scan3A_174, %mul3A_177 : i32
    %swap3A_179 = arith.index_cast %mul3A_178 : i32 to index
    %swap3A_180 = tpu.vector_load %arg11[%swap3A_179] {strides = array<i32>} : memref<640xf32, #tpu.memory_space<vmem>>, vector<16xf32>,
    tpu.vector_store %arg11[%swap3A_179], %broadcast_in_dim3A_176 {strides = array<i32>} : memref<640xf32, #tpu.memory_space<vmem>>, vector<16xf32>,
    %scan3A_181 = arith.constant 19 : i32
    %broadcast_in_dim3A_182 = arith.constant 0.000000e+00 : f32
    %broadcast_in_dim3A_183 = vector.broadcast %broadcast_in_dim3A_182 : f32 to vector<16xf32>
    %mul3A_184 = arith.constant 16 : i32
    %mul3A_185 = arith.muli %scan3A_181, %mul3A_184 : i32
    %swap3A_186 = arith.index_cast %mul3A_185 : i32 to index
    %swap3A_187 = tpu.vector_load %arg11[%swap3A_186] {strides = array<i32>} : memref<640xf32, #tpu.memory_space<vmem>>, vector<16xf32>,
    tpu.vector_store %arg11[%swap3A_186], %broadcast_in_dim3A_183 {strides = array<i32>} : memref<640xf32, #tpu.memory_space<vmem>>, vector<16xf32>,
    %scan3A_188 = arith.constant 20 : i32
    %broadcast_in_dim3A_189 = arith.constant 0.000000e+00 : f32
    %broadcast_in_dim3A_190 = vector.broadcast %broadcast_in_dim3A_189 : f32 to vector<16xf32>
    %mul3A_191 = arith.constant 16 : i32
    %mul3A_192 = arith.muli %scan3A_188, %mul3A_191 : i32
    %swap3A_193 = arith.index_cast %mul3A_192 : i32 to index
    %swap3A_194 = tpu.vector_load %arg11[%swap3A_193] {strides = array<i32>} : memref<640xf32, #tpu.memory_space<vmem>>, vector<16xf32>,
    tpu.vector_store %arg11[%swap3A_193], %broadcast_in_dim3A_190 {strides = array<i32>} : memref<640xf32, #tpu.memory_space<vmem>>, vector<16xf32>,
    %scan3A_195 = arith.constant 21 : i32
    %broadcast_in_dim3A_196 = arith.constant 0.000000e+00 : f32
    %broadcast_in_dim3A_197 = vector.broadcast %broadcast_in_dim3A_196 : f32 to vector<16xf32>
    %mul3A_198 = arith.constant 16 : i32
    %mul3A_199 = arith.muli %scan3A_195, %mul3A_198 : i32
    %swap3A_200 = arith.index_cast %mul3A_199 : i32 to index
    %swap3A_201 = tpu.vector_load %arg11[%swap3A_200] {strides = array<i32>} : memref<640xf32, #tpu.memory_space<vmem>>, vector<16xf32>,
    tpu.vector_store %arg11[%swap3A_200], %broadcast_in_dim3A_197 {strides = array<i32>} : memref<640xf32, #tpu.memory_space<vmem>>, vector<16xf32>,
    %scan3A_202 = arith.constant 22 : i32
    %broadcast_in_dim3A_203 = arith.constant 0.000000e+00 : f32
    %broadcast_in_dim3A_204 = vector.broadcast %broadcast_in_dim3A_203 : f32 to vector<16xf32>
    %mul3A_205 = arith.constant 16 : i32
    %mul3A_206 = arith.muli %scan3A_202, %mul3A_205 : i32
    %swap3A_207 = arith.index_cast %mul3A_206 : i32 to index
    %swap3A_208 = tpu.vector_load %arg11[%swap3A_207] {strides = array<i32>} : memref<640xf32, #tpu.memory_space<vmem>>, vector<16xf32>,
    tpu.vector_store %arg11[%swap3A_207], %broadcast_in_dim3A_204 {strides = array<i32>} : memref<640xf32, #tpu.memory_space<vmem>>, vector<16xf32>,
    %scan3A_209 = arith.constant 23 : i32
    %broadcast_in_dim3A_210 = arith.constant 0.000000e+00 : f32
    %broadcast_in_dim3A_211 = vector.broadcast %broadcast_in_dim3A_210 : f32 to vector<16xf32>
    %mul3A_212 = arith.constant 16 : i32
    %mul3A_213 = arith.muli %scan3A_209, %mul3A_212 : i32
    %swap3A_214 = arith.index_cast %mul3A_213 : i32 to index
    %swap3A_215 = tpu.vector_load %arg11[%swap3A_214] {strides = array<i32>} : memref<640xf32, #tpu.memory_space<vmem>>, vector<16xf32>,
    tpu.vector_store %arg11[%swap3A_214], %broadcast_in_dim3A_211 {strides = array<i32>} : memref<640xf32, #tpu.memory_space<vmem>>, vector<16xf32>,
    %scan3A_216 = arith.constant 24 : i32
    %broadcast_in_dim3A_217 = arith.constant 0.000000e+00 : f32
    %broadcast_in_dim3A_218 = vector.broadcast %broadcast_in_dim3A_217 : f32 to vector<16xf32>
    %mul3A_219 = arith.constant 16 : i32
    %mul3A_220 = arith.muli %scan3A_216, %mul3A_219 : i32
    %swap3A_221 = arith.index_cast %mul3A_220 : i32 to index
    %swap3A_222 = tpu.vector_load %arg11[%swap3A_221] {strides = array<i32>} : memref<640xf32, #tpu.memory_space<vmem>>, vector<16xf32>,
    tpu.vector_store %arg11[%swap3A_221], %broadcast_in_dim3A_218 {strides = array<i32>} : memref<640xf32, #tpu.memory_space<vmem>>, vector<16xf32>,
    %scan3A_223 = arith.constant 25 : i32
    %broadcast_in_dim3A_224 = arith.constant 0.000000e+00 : f32
    %broadcast_in_dim3A_225 = vector.broadcast %broadcast_in_dim3A_224 : f32 to vector<16xf32>
    %mul3A_226 = arith.constant 16 : i32
    %mul3A_227 = arith.muli %scan3A_223, %mul3A_226 : i32
    %swap3A_228 = arith.index_cast %mul3A_227 : i32 to index
    %swap3A_229 = tpu.vector_load %arg11[%swap3A_228] {strides = array<i32>} : memref<640xf32, #tpu.memory_space<vmem>>, vector<16xf32>,
    tpu.vector_store %arg11[%swap3A_228], %broadcast_in_dim3A_225 {strides = array<i32>} : memref<640xf32, #tpu.memory_space<vmem>>, vector<16xf32>,
    %scan3A_230 = arith.constant 26 : i32
    %broadcast_in_dim3A_231 = arith.constant 0.000000e+00 : f32
    %broadcast_in_dim3A_232 = vector.broadcast %broadcast_in_dim3A_231 : f32 to vector<16xf32>
    %mul3A_233 = arith.constant 16 : i32
    %mul3A_234 = arith.muli %scan3A_230, %mul3A_233 : i32
    %swap3A_235 = arith.index_cast %mul3A_234 : i32 to index
    %swap3A_236 = tpu.vector_load %arg11[%swap3A_235] {strides = array<i32>} : memref<640xf32, #tpu.memory_space<vmem>>, vector<16xf32>,
    tpu.vector_store %arg11[%swap3A_235], %broadcast_in_dim3A_232 {strides = array<i32>} : memref<640xf32, #tpu.memory_space<vmem>>, vector<16xf32>,
    %scan3A_237 = arith.constant 27 : i32
    %broadcast_in_dim3A_238 = arith.constant 0.000000e+00 : f32
    %broadcast_in_dim3A_239 = vector.broadcast %broadcast_in_dim3A_238 : f32 to vector<16xf32>
    %mul3A_240 = arith.constant 16 : i32
    %mul3A_241 = arith.muli %scan3A_237, %mul3A_240 : i32
    %swap3A_242 = arith.index_cast %mul3A_241 : i32 to index
    %swap3A_243 = tpu.vector_load %arg11[%swap3A_242] {strides = array<i32>} : memref<640xf32, #tpu.memory_space<vmem>>, vector<16xf32>,
    tpu.vector_store %arg11[%swap3A_242], %broadcast_in_dim3A_239 {strides = array<i32>} : memref<640xf32, #tpu.memory_space<vmem>>, vector<16xf32>,
    %scan3A_244 = arith.constant 28 : i32
    %broadcast_in_dim3A_245 = arith.constant 0.000000e+00 : f32
    %broadcast_in_dim3A_246 = vector.broadcast %broadcast_in_dim3A_245 : f32 to vector<16xf32>
    %mul3A_247 = arith.constant 16 : i32
    %mul3A_248 = arith.muli %scan3A_244, %mul3A_247 : i32
    %swap3A_249 = arith.index_cast %mul3A_248 : i32 to index
    %swap3A_250 = tpu.vector_load %arg11[%swap3A_249] {strides = array<i32>} : memref<640xf32, #tpu.memory_space<vmem>>, vector<16xf32>,
    tpu.vector_store %arg11[%swap3A_249], %broadcast_in_dim3A_246 {strides = array<i32>} : memref<640xf32, #tpu.memory_space<vmem>>, vector<16xf32>,
    %scan3A_251 = arith.constant 29 : i32
    %broadcast_in_dim3A_252 = arith.constant 0.000000e+00 : f32
    %broadcast_in_dim3A_253 = vector.broadcast %broadcast_in_dim3A_252 : f32 to vector<16xf32>
    %mul3A_254 = arith.constant 16 : i32
    %mul3A_255 = arith.muli %scan3A_251, %mul3A_254 : i32
    %swap3A_256 = arith.index_cast %mul3A_255 : i32 to index
    %swap3A_257 = tpu.vector_load %arg11[%swap3A_256] {strides = array<i32>} : memref<640xf32, #tpu.memory_space<vmem>>, vector<16xf32>,
    tpu.vector_store %arg11[%swap3A_256], %broadcast_in_dim3A_253 {strides = array<i32>} : memref<640xf32, #tpu.memory_space<vmem>>, vector<16xf32>,
    %scan3A_258 = arith.constant 30 : i32
    %broadcast_in_dim3A_259 = arith.constant 0.000000e+00 : f32
    %broadcast_in_dim3A_260 = vector.broadcast %broadcast_in_dim3A_259 : f32 to vector<16xf32>
    %mul3A_261 = arith.constant 16 : i32
    %mul3A_262 = arith.muli %scan3A_258, %mul3A_261 : i32
    %swap3A_263 = arith.index_cast %mul3A_262 : i32 to index
    %swap3A_264 = tpu.vector_load %arg11[%swap3A_263] {strides = array<i32>} : memref<640xf32, #tpu.memory_space<vmem>>, vector<16xf32>,
    tpu.vector_store %arg11[%swap3A_263], %broadcast_in_dim3A_260 {strides = array<i32>} : memref<640xf32, #tpu.memory_space<vmem>>, vector<16xf32>,
    %scan3A_265 = arith.constant 31 : i32
    %broadcast_in_dim3A_266 = arith.constant 0.000000e+00 : f32
    %broadcast_in_dim3A_267 = vector.broadcast %broadcast_in_dim3A_266 : f32 to vector<16xf32>
    %mul3A_268 = arith.constant 16 : i32
    %mul3A_269 = arith.muli %scan3A_265, %mul3A_268 : i32
    %swap3A_270 = arith.index_cast %mul3A_269 : i32 to index
    %swap3A_271 = tpu.vector_load %arg11[%swap3A_270] {strides = array<i32>} : memref<640xf32, #tpu.memory_space<vmem>>, vector<16xf32>,
    tpu.vector_store %arg11[%swap3A_270], %broadcast_in_dim3A_267 {strides = array<i32>} : memref<640xf32, #tpu.memory_space<vmem>>, vector<16xf32>,
    %scan3A_272 = arith.constant 32 : i32
    %broadcast_in_dim3A_273 = arith.constant 0.000000e+00 : f32
    %broadcast_in_dim3A_274 = vector.broadcast %broadcast_in_dim3A_273 : f32 to vector<16xf32>
    %mul3A_275 = arith.constant 16 : i32
    %mul3A_276 = arith.muli %scan3A_272, %mul3A_275 : i32
    %swap3A_277 = arith.index_cast %mul3A_276 : i32 to index
    %swap3A_278 = tpu.vector_load %arg11[%swap3A_277] {strides = array<i32>} : memref<640xf32, #tpu.memory_space<vmem>>, vector<16xf32>,
    tpu.vector_store %arg11[%swap3A_277], %broadcast_in_dim3A_274 {strides = array<i32>} : memref<640xf32, #tpu.memory_space<vmem>>, vector<16xf32>,
    %scan3A_279 = arith.constant 33 : i32
    %broadcast_in_dim3A_280 = arith.constant 0.000000e+00 : f32
    %broadcast_in_dim3A_281 = vector.broadcast %broadcast_in_dim3A_280 : f32 to vector<16xf32>
    %mul3A_282 = arith.constant 16 : i32
    %mul3A_283 = arith.muli %scan3A_279, %mul3A_282 : i32
    %swap3A_284 = arith.index_cast %mul3A_283 : i32 to index
    %swap3A_285 = tpu.vector_load %arg11[%swap3A_284] {strides = array<i32>} : memref<640xf32, #tpu.memory_space<vmem>>, vector<16xf32>,
    tpu.vector_store %arg11[%swap3A_284], %broadcast_in_dim3A_281 {strides = array<i32>} : memref<640xf32, #tpu.memory_space<vmem>>, vector<16xf32>,
    %scan3A_286 = arith.constant 34 : i32
    %broadcast_in_dim3A_287 = arith.constant 0.000000e+00 : f32
    %broadcast_in_dim3A_288 = vector.broadcast %broadcast_in_dim3A_287 : f32 to vector<16xf32>
    %mul3A_289 = arith.constant 16 : i32
    %mul3A_290 = arith.muli %scan3A_286, %mul3A_289 : i32
    %swap3A_291 = arith.index_cast %mul3A_290 : i32 to index
    %swap3A_292 = tpu.vector_load %arg11[%swap3A_291] {strides = array<i32>} : memref<640xf32, #tpu.memory_space<vmem>>, vector<16xf32>,
    tpu.vector_store %arg11[%swap3A_291], %broadcast_in_dim3A_288 {strides = array<i32>} : memref<640xf32, #tpu.memory_space<vmem>>, vector<16xf32>,
    %scan3A_293 = arith.constant 35 : i32
    %broadcast_in_dim3A_294 = arith.constant 0.000000e+00 : f32
    %broadcast_in_dim3A_295 = vector.broadcast %broadcast_in_dim3A_294 : f32 to vector<16xf32>
    %mul3A_296 = arith.constant 16 : i32
    %mul3A_297 = arith.muli %scan3A_293, %mul3A_296 : i32
    %swap3A_298 = arith.index_cast %mul3A_297 : i32 to index
    %swap3A_299 = tpu.vector_load %arg11[%swap3A_298] {strides = array<i32>} : memref<640xf32, #tpu.memory_space<vmem>>, vector<16xf32>,
    tpu.vector_store %arg11[%swap3A_298], %broadcast_in_dim3A_295 {strides = array<i32>} : memref<640xf32, #tpu.memory_space<vmem>>, vector<16xf32>,
    %scan3A_300 = arith.constant 36 : i32
    %broadcast_in_dim3A_301 = arith.constant 0.000000e+00 : f32
    %broadcast_in_dim3A_302 = vector.broadcast %broadcast_in_dim3A_301 : f32 to vector<16xf32>
    %mul3A_303 = arith.constant 16 : i32
    %mul3A_304 = arith.muli %scan3A_300, %mul3A_303 : i32
    %swap3A_305 = arith.index_cast %mul3A_304 : i32 to index
    %swap3A_306 = tpu.vector_load %arg11[%swap3A_305] {strides = array<i32>} : memref<640xf32, #tpu.memory_space<vmem>>, vector<16xf32>,
    tpu.vector_store %arg11[%swap3A_305], %broadcast_in_dim3A_302 {strides = array<i32>} : memref<640xf32, #tpu.memory_space<vmem>>, vector<16xf32>,
    %scan3A_307 = arith.constant 37 : i32
    %broadcast_in_dim3A_308 = arith.constant 0.000000e+00 : f32
    %broadcast_in_dim3A_309 = vector.broadcast %broadcast_in_dim3A_308 : f32 to vector<16xf32>
    %mul3A_310 = arith.constant 16 : i32
    %mul3A_311 = arith.muli %scan3A_307, %mul3A_310 : i32
    %swap3A_312 = arith.index_cast %mul3A_311 : i32 to index
    %swap3A_313 = tpu.vector_load %arg11[%swap3A_312] {strides = array<i32>} : memref<640xf32, #tpu.memory_space<vmem>>, vector<16xf32>,
    tpu.vector_store %arg11[%swap3A_312], %broadcast_in_dim3A_309 {strides = array<i32>} : memref<640xf32, #tpu.memory_space<vmem>>, vector<16xf32>,
    %scan3A_314 = arith.constant 38 : i32
    %broadcast_in_dim3A_315 = arith.constant 0.000000e+00 : f32
    %broadcast_in_dim3A_316 = vector.broadcast %broadcast_in_dim3A_315 : f32 to vector<16xf32>
    %mul3A_317 = arith.constant 16 : i32
    %mul3A_318 = arith.muli %scan3A_314, %mul3A_317 : i32
    %swap3A_319 = arith.index_cast %mul3A_318 : i32 to index
    %swap3A_320 = tpu.vector_load %arg11[%swap3A_319] {strides = array<i32>} : memref<640xf32, #tpu.memory_space<vmem>>, vector<16xf32>,
    tpu.vector_store %arg11[%swap3A_319], %broadcast_in_dim3A_316 {strides = array<i32>} : memref<640xf32, #tpu.memory_space<vmem>>, vector<16xf32>,
    %scan3A_321 = arith.constant 39 : i32
    %broadcast_in_dim3A_322 = arith.constant 0.000000e+00 : f32
    %broadcast_in_dim3A_323 = vector.broadcast %broadcast_in_dim3A_322 : f32 to vector<16xf32>
    %mul3A_324 = arith.constant 16 : i32
    %mul3A_325 = arith.muli %scan3A_321, %mul3A_324 : i32
    %swap3A_326 = arith.index_cast %mul3A_325 : i32 to index
    %swap3A_327 = tpu.vector_load %arg11[%swap3A_326] {strides = array<i32>} : memref<640xf32, #tpu.memory_space<vmem>>, vector<16xf32>,
    tpu.vector_store %arg11[%swap3A_326], %broadcast_in_dim3A_323 {strides = array<i32>} : memref<640xf32, #tpu.memory_space<vmem>>, vector<16xf32>,
    %scan3A_328 = arith.constant 40 : i32
    %mul3A_329 = arith.constant 640 : i32
    %mul3A_330 = arith.muli %arg1, %mul3A_329 : i32
    "tpu.region"() ({
      %run_scoped3A = tpu.sem_alloc : memref<!tpu.dma_semaphore, #tpu.memory_space<semaphore_mem>>
      %dma_start3A_398 = tpu.memref_slice %arg12[%mul3A_330] : memref<10240xf32, #tpu.memory_space<vmem_shared>> -> memref<640xf32, #tpu.memory_space<vmem_shared>>
      %dma_start3A_399 = tpu.memref_slice %arg12[%mul3A_330] : memref<10240xf32, #tpu.memory_space<vmem_shared>> -> memref<640xf32, #tpu.memory_space<vmem_shared>>
      tpu.enqueue_dma source(%arg11 : memref<640xf32, #tpu.memory_space<vmem>>) target(%dma_start3A_399 : memref<640xf32, #tpu.memory_space<vmem_shared>>) target_semaphore(%run_scoped3A : memref<!tpu.dma_semaphore, #tpu.memory_space<semaphore_mem>>)
      %dma_wait3A_400 = tpu.memref_slice %arg12[%mul3A_330] : memref<10240xf32, #tpu.memory_space<vmem_shared>> -> memref<640xf32, #tpu.memory_space<vmem_shared>>
      %dma_wait3A_401 = tpu.memref_slice %arg12[%mul3A_330] : memref<10240xf32, #tpu.memory_space<vmem_shared>> -> memref<640xf32, #tpu.memory_space<vmem_shared>>
      tpu.wait_dma2 semaphore(%run_scoped3A : memref<!tpu.dma_semaphore, #tpu.memory_space<semaphore_mem>>) src(%arg11 : memref<640xf32, #tpu.memory_space<vmem>>) dst(%dma_wait3A_401 : memref<640xf32, #tpu.memory_space<vmem_shared>>)
      tpu.yield
    }) : () -> ()
    %dma_wait3A = arith.constant 0 : i32
    %dma_wait3A_331 = arith.constant 0 : i32
    %dma_wait3A_332 = tpu.memref_slice %arg2[%dma_wait3A, %dma_wait3A_331] : memref<1x10000xf32, #tpu.memory_space<hbm>> -> memref<1x10000xf32, #tpu.memory_space<hbm>>
    %dma_wait3A_333 = tpu.memref_squeeze %dma_wait3A_332 : memref<1x10000xf32, #tpu.memory_space<hbm>> -> memref<10000xf32, #tpu.memory_space<hbm>>
    %dma_wait3A_334 = arith.constant 0 : i32
    %dma_wait3A_335 = tpu.memref_slice %arg2[%dma_wait3A, %dma_wait3A_334] : memref<1x10000xf32, #tpu.memory_space<hbm>> -> memref<1x10000xf32, #tpu.memory_space<hbm>>
    %dma_wait3A_336 = tpu.memref_squeeze %dma_wait3A_335 : memref<1x10000xf32, #tpu.memory_space<hbm>> -> memref<10000xf32, #tpu.memory_space<hbm>>
    tpu.wait_dma2 semaphore(%arg13 : memref<!tpu.dma_semaphore, #tpu.memory_space<semaphore_mem>>) src(%dma_wait3A_336 : memref<10000xf32, #tpu.memory_space<hbm>>) dst(%arg6 : memref<10000xf32, #tpu.memory_space<vmem>>)
    %dma_wait3A_337 = arith.constant 0 : i32
    %dma_wait3A_338 = arith.constant 0 : i32
    %dma_wait3A_339 = arith.constant 0 : i32
    %dma_wait3A_340 = tpu.memref_slice %arg7[%dma_wait3A_338, %dma_wait3A_339] : memref<79x128xi32, #tpu.memory_space<vmem>> -> memref<78x128xi32, #tpu.memory_space<vmem>>
    %dma_wait3A_341 = arith.constant 0 : i32
    %dma_wait3A_342 = tpu.memref_slice %arg3[%dma_wait3A_337, %add3A_4, %dma_wait3A_341] : memref<2x2500x128xi32, #tpu.memory_space<hbm>> -> memref<1x78x128xi32, #tpu.memory_space<hbm>>
    %dma_wait3A_343 = tpu.memref_squeeze %dma_wait3A_342 : memref<1x78x128xi32, #tpu.memory_space<hbm>> -> memref<78x128xi32, #tpu.memory_space<hbm>>
    %dma_wait3A_344 = arith.constant 0 : i32
    %dma_wait3A_345 = arith.constant 0 : i32
    %dma_wait3A_346 = tpu.memref_slice %arg7[%dma_wait3A_344, %dma_wait3A_345] : memref<79x128xi32, #tpu.memory_space<vmem>> -> memref<78x128xi32, #tpu.memory_space<vmem>>
    %dma_wait3A_347 = arith.constant 0 : i32
    %dma_wait3A_348 = tpu.memref_slice %arg3[%dma_wait3A_337, %add3A_4, %dma_wait3A_347] : memref<2x2500x128xi32, #tpu.memory_space<hbm>> -> memref<1x78x128xi32, #tpu.memory_space<hbm>>
    %dma_wait3A_349 = tpu.memref_squeeze %dma_wait3A_348 : memref<1x78x128xi32, #tpu.memory_space<hbm>> -> memref<78x128xi32, #tpu.memory_space<hbm>>
    tpu.wait_dma2 semaphore(%arg14 : memref<!tpu.dma_semaphore, #tpu.memory_space<semaphore_mem>>) src(%dma_wait3A_349 : memref<78x128xi32, #tpu.memory_space<hbm>>) dst(%dma_wait3A_346 : memref<78x128xi32, #tpu.memory_space<vmem>>)
    %dma_wait3A_350 = arith.constant 1 : i32
    %dma_wait3A_351 = arith.constant 0 : i32
    %dma_wait3A_352 = arith.constant 0 : i32
    %dma_wait3A_353 = tpu.memref_slice %arg8[%dma_wait3A_351, %dma_wait3A_352] : memref<79x128xi32, #tpu.memory_space<vmem>> -> memref<78x128xi32, #tpu.memory_space<vmem>>
    %dma_wait3A_354 = arith.constant 0 : i32
    %dma_wait3A_355 = tpu.memref_slice %arg3[%dma_wait3A_350, %add3A_4, %dma_wait3A_354] : memref<2x2500x128xi32, #tpu.memory_space<hbm>> -> memref<1x78x128xi32, #tpu.memory_space<hbm>>
    %dma_wait3A_356 = tpu.memref_squeeze %dma_wait3A_355 : memref<1x78x128xi32, #tpu.memory_space<hbm>> -> memref<78x128xi32, #tpu.memory_space<hbm>>
    %dma_wait3A_357 = arith.constant 0 : i32
    %dma_wait3A_358 = arith.constant 0 : i32
    %dma_wait3A_359 = tpu.memref_slice %arg8[%dma_wait3A_357, %dma_wait3A_358] : memref<79x128xi32, #tpu.memory_space<vmem>> -> memref<78x128xi32, #tpu.memory_space<vmem>>
    %dma_wait3A_360 = arith.constant 0 : i32
    %dma_wait3A_361 = tpu.memref_slice %arg3[%dma_wait3A_350, %add3A_4, %dma_wait3A_360] : memref<2x2500x128xi32, #tpu.memory_space<hbm>> -> memref<1x78x128xi32, #tpu.memory_space<hbm>>
    %dma_wait3A_362 = tpu.memref_squeeze %dma_wait3A_361 : memref<1x78x128xi32, #tpu.memory_space<hbm>> -> memref<78x128xi32, #tpu.memory_space<hbm>>
    tpu.wait_dma2 semaphore(%arg15 : memref<!tpu.dma_semaphore, #tpu.memory_space<semaphore_mem>>) src(%dma_wait3A_362 : memref<78x128xi32, #tpu.memory_space<hbm>>) dst(%dma_wait3A_359 : memref<78x128xi32, #tpu.memory_space<vmem>>)
    %dma_wait3A_363 = arith.constant 0 : i32
    %dma_wait3A_364 = tpu.memref_slice %arg9[%dma_wait3A_363] : memref<10112xf32, #tpu.memory_space<vmem>> -> memref<9984xf32, #tpu.memory_space<vmem>>
    %dma_wait3A_365 = tpu.memref_slice %arg4[%mul3A_41] : memref<320000xf32, #tpu.memory_space<hbm>> -> memref<9984xf32, #tpu.memory_space<hbm>>
    %dma_wait3A_366 = arith.constant 0 : i32
    %dma_wait3A_367 = tpu.memref_slice %arg9[%dma_wait3A_366] : memref<10112xf32, #tpu.memory_space<vmem>> -> memref<9984xf32, #tpu.memory_space<vmem>>
    %dma_wait3A_368 = tpu.memref_slice %arg4[%mul3A_41] : memref<320000xf32, #tpu.memory_space<hbm>> -> memref<9984xf32, #tpu.memory_space<hbm>>
    tpu.wait_dma2 semaphore(%arg16 : memref<!tpu.dma_semaphore, #tpu.memory_space<semaphore_mem>>) src(%dma_wait3A_368 : memref<9984xf32, #tpu.memory_space<hbm>>) dst(%dma_wait3A_367 : memref<9984xf32, #tpu.memory_space<vmem>>)
    %convert_element_type3A_369 = arith.extui %lt3A_5 : i1 to i32
    %cond3A_370 = arith.constant 0 : i32
    %cond3A_371 = arith.cmpi ne, %convert_element_type3A_369, %cond3A_370 : i32
    scf.if %cond3A_371 {
      %add3A_398 = arith.constant 78 : i32
      %add3A_399 = arith.addi %add3A_4, %add3A_398 : i32
      %dma_wait3A_400 = arith.constant 0 : i32
      %dma_wait3A_401 = arith.constant 78 : i32
      %dma_wait3A_402 = arith.constant 0 : i32
      %dma_wait3A_403 = tpu.memref_slice %arg7[%dma_wait3A_401, %dma_wait3A_402] : memref<79x128xi32, #tpu.memory_space<vmem>> -> memref<1x128xi32, #tpu.memory_space<vmem>>
      %dma_wait3A_404 = arith.constant 0 : i32
      %dma_wait3A_405 = tpu.memref_slice %arg3[%dma_wait3A_400, %add3A_399, %dma_wait3A_404] : memref<2x2500x128xi32, #tpu.memory_space<hbm>> -> memref<1x1x128xi32, #tpu.memory_space<hbm>>
      %dma_wait3A_406 = tpu.memref_squeeze %dma_wait3A_405 : memref<1x1x128xi32, #tpu.memory_space<hbm>> -> memref<1x128xi32, #tpu.memory_space<hbm>>
      %dma_wait3A_407 = arith.constant 78 : i32
      %dma_wait3A_408 = arith.constant 0 : i32
      %dma_wait3A_409 = tpu.memref_slice %arg7[%dma_wait3A_407, %dma_wait3A_408] : memref<79x128xi32, #tpu.memory_space<vmem>> -> memref<1x128xi32, #tpu.memory_space<vmem>>
      %dma_wait3A_410 = arith.constant 0 : i32
      %dma_wait3A_411 = tpu.memref_slice %arg3[%dma_wait3A_400, %add3A_399, %dma_wait3A_410] : memref<2x2500x128xi32, #tpu.memory_space<hbm>> -> memref<1x1x128xi32, #tpu.memory_space<hbm>>
      %dma_wait3A_412 = tpu.memref_squeeze %dma_wait3A_411 : memref<1x1x128xi32, #tpu.memory_space<hbm>> -> memref<1x128xi32, #tpu.memory_space<hbm>>
      tpu.wait_dma2 semaphore(%arg14 : memref<!tpu.dma_semaphore, #tpu.memory_space<semaphore_mem>>) src(%dma_wait3A_412 : memref<1x128xi32, #tpu.memory_space<hbm>>) dst(%dma_wait3A_409 : memref<1x128xi32, #tpu.memory_space<vmem>>)
      %add3A_413 = arith.constant 78 : i32
      %add3A_414 = arith.addi %add3A_4, %add3A_413 : i32
      %dma_wait3A_415 = arith.constant 1 : i32
      %dma_wait3A_416 = arith.constant 78 : i32
      %dma_wait3A_417 = arith.constant 0 : i32
      %dma_wait3A_418 = tpu.memref_slice %arg8[%dma_wait3A_416, %dma_wait3A_417] : memref<79x128xi32, #tpu.memory_space<vmem>> -> memref<1x128xi32, #tpu.memory_space<vmem>>
      %dma_wait3A_419 = arith.constant 0 : i32
      %dma_wait3A_420 = tpu.memref_slice %arg3[%dma_wait3A_415, %add3A_414, %dma_wait3A_419] : memref<2x2500x128xi32, #tpu.memory_space<hbm>> -> memref<1x1x128xi32, #tpu.memory_space<hbm>>
      %dma_wait3A_421 = tpu.memref_squeeze %dma_wait3A_420 : memref<1x1x128xi32, #tpu.memory_space<hbm>> -> memref<1x128xi32, #tpu.memory_space<hbm>>
      %dma_wait3A_422 = arith.constant 78 : i32
      %dma_wait3A_423 = arith.constant 0 : i32
      %dma_wait3A_424 = tpu.memref_slice %arg8[%dma_wait3A_422, %dma_wait3A_423] : memref<79x128xi32, #tpu.memory_space<vmem>> -> memref<1x128xi32, #tpu.memory_space<vmem>>
      %dma_wait3A_425 = arith.constant 0 : i32
      %dma_wait3A_426 = tpu.memref_slice %arg3[%dma_wait3A_415, %add3A_414, %dma_wait3A_425] : memref<2x2500x128xi32, #tpu.memory_space<hbm>> -> memref<1x1x128xi32, #tpu.memory_space<hbm>>
      %dma_wait3A_427 = tpu.memref_squeeze %dma_wait3A_426 : memref<1x1x128xi32, #tpu.memory_space<hbm>> -> memref<1x128xi32, #tpu.memory_space<hbm>>
      tpu.wait_dma2 semaphore(%arg15 : memref<!tpu.dma_semaphore, #tpu.memory_space<semaphore_mem>>) src(%dma_wait3A_427 : memref<1x128xi32, #tpu.memory_space<hbm>>) dst(%dma_wait3A_424 : memref<1x128xi32, #tpu.memory_space<vmem>>)
      %add3A_428 = arith.constant 78 : i32
      %add3A_429 = arith.addi %add3A_4, %add3A_428 : i32
      %mul3A_430 = arith.constant 128 : i32
      %mul3A_431 = arith.muli %add3A_429, %mul3A_430 : i32
      %dma_wait3A_432 = arith.constant 9984 : i32
      %dma_wait3A_433 = tpu.memref_slice %arg9[%dma_wait3A_432] : memref<10112xf32, #tpu.memory_space<vmem>> -> memref<128xf32, #tpu.memory_space<vmem>>
      %dma_wait3A_434 = tpu.memref_slice %arg4[%mul3A_431] : memref<320000xf32, #tpu.memory_space<hbm>> -> memref<128xf32, #tpu.memory_space<hbm>>
      %dma_wait3A_435 = arith.constant 9984 : i32
      %dma_wait3A_436 = tpu.memref_slice %arg9[%dma_wait3A_435] : memref<10112xf32, #tpu.memory_space<vmem>> -> memref<128xf32, #tpu.memory_space<vmem>>
      %dma_wait3A_437 = tpu.memref_slice %arg4[%mul3A_431] : memref<320000xf32, #tpu.memory_space<hbm>> -> memref<128xf32, #tpu.memory_space<hbm>>
      tpu.wait_dma2 semaphore(%arg16 : memref<!tpu.dma_semaphore, #tpu.memory_space<semaphore_mem>>) src(%dma_wait3A_437 : memref<128xf32, #tpu.memory_space<hbm>>) dst(%dma_wait3A_436 : memref<128xf32, #tpu.memory_space<vmem>>)
    } else {
    }
    %barrier3A = arith.constant 0 : index
    tpu.barrier barrier_id(%barrier3A)
    %while3A = arith.constant 0 : i32
    %while3A_372 = arith.constant 0 : i32
    %while3A_373 = arith.subi %add3A_7, %while3A_372 : i32
    %while3A_374 = arith.addi %while3A_372, %while3A_373 : i32
    %while3A_375 = arith.constant 1 : i32
    %while3A_376 = arith.divsi %while3A_373, %while3A_375 : i32
    %while3A_377 = arith.muli %while3A_376, %while3A_375 : i32
    %while3A_378 = arith.addi %while3A_372, %while3A_377 : i32
    %while3A_379 = arith.constant 1 : i32
    scf.for %while3A_398 = %while3A_372 to %while3A_378 step %while3A_379  : i32 {
      %get3A = arith.index_cast %while3A_398 : i32 to index
      %get3A_399 = arith.constant 0 : index
      %get3A_400 = tpu.vector_load %arg7[%get3A, %get3A_399] {strides = array<i32>} : memref<79x128xi32, #tpu.memory_space<vmem>>, vector<16xi32>,
      %gather3A = tpu.vector_load_idx %arg6[%get3A_400] : memref<10000xf32, #tpu.memory_space<vmem>>[vector<16xi32>], vector<16xf32>,
      %mul3A_401 = arith.constant 128 : i32
      %mul3A_402 = arith.muli %while3A_398, %mul3A_401 : i32
      %add3A_403 = arith.constant 0 : i32
      %add3A_404 = arith.addi %mul3A_402, %add3A_403 : i32
      %get3A_405 = arith.index_cast %add3A_404 : i32 to index
      %get3A_406 = tpu.vector_load %arg9[%get3A_405] {strides = array<i32>} : memref<10112xf32, #tpu.memory_space<vmem>>, vector<16xf32>,
      %mul3A_407 = arith.mulf %gather3A, %get3A_406 : vector<16xf32>
      %swap3A_408 = arith.index_cast %while3A_398 : i32 to index
      %swap3A_409 = arith.constant 0 : index
      %swap3A_410 = tpu.vector_load %arg10[%swap3A_408, %swap3A_409] {strides = array<i32>} : memref<79x128xf32, #tpu.memory_space<vmem>>, vector<16xf32>,
      tpu.vector_store %arg10[%swap3A_408, %swap3A_409], %mul3A_407 {strides = array<i32>} : memref<79x128xf32, #tpu.memory_space<vmem>>, vector<16xf32>,
      %get3A_411 = arith.index_cast %while3A_398 : i32 to index
      %get3A_412 = arith.constant 16 : index
      %get3A_413 = tpu.vector_load %arg7[%get3A_411, %get3A_412] {strides = array<i32>} : memref<79x128xi32, #tpu.memory_space<vmem>>, vector<16xi32>,
      %gather3A_414 = tpu.vector_load_idx %arg6[%get3A_413] : memref<10000xf32, #tpu.memory_space<vmem>>[vector<16xi32>], vector<16xf32>,
      %mul3A_415 = arith.constant 128 : i32
      %mul3A_416 = arith.muli %while3A_398, %mul3A_415 : i32
      %add3A_417 = arith.constant 16 : i32
      %add3A_418 = arith.addi %mul3A_416, %add3A_417 : i32
      %get3A_419 = arith.index_cast %add3A_418 : i32 to index
      %get3A_420 = tpu.vector_load %arg9[%get3A_419] {strides = array<i32>} : memref<10112xf32, #tpu.memory_space<vmem>>, vector<16xf32>,
      %mul3A_421 = arith.mulf %gather3A_414, %get3A_420 : vector<16xf32>
      %swap3A_422 = arith.index_cast %while3A_398 : i32 to index
      %swap3A_423 = arith.constant 16 : index
      %swap3A_424 = tpu.vector_load %arg10[%swap3A_422, %swap3A_423] {strides = array<i32>} : memref<79x128xf32, #tpu.memory_space<vmem>>, vector<16xf32>,
      tpu.vector_store %arg10[%swap3A_422, %swap3A_423], %mul3A_421 {strides = array<i32>} : memref<79x128xf32, #tpu.memory_space<vmem>>, vector<16xf32>,
      %get3A_425 = arith.index_cast %while3A_398 : i32 to index
      %get3A_426 = arith.constant 32 : index
      %get3A_427 = tpu.vector_load %arg7[%get3A_425, %get3A_426] {strides = array<i32>} : memref<79x128xi32, #tpu.memory_space<vmem>>, vector<16xi32>,
      %gather3A_428 = tpu.vector_load_idx %arg6[%get3A_427] : memref<10000xf32, #tpu.memory_space<vmem>>[vector<16xi32>], vector<16xf32>,
      %mul3A_429 = arith.constant 128 : i32
      %mul3A_430 = arith.muli %while3A_398, %mul3A_429 : i32
      %add3A_431 = arith.constant 32 : i32
      %add3A_432 = arith.addi %mul3A_430, %add3A_431 : i32
      %get3A_433 = arith.index_cast %add3A_432 : i32 to index
      %get3A_434 = tpu.vector_load %arg9[%get3A_433] {strides = array<i32>} : memref<10112xf32, #tpu.memory_space<vmem>>, vector<16xf32>,
      %mul3A_435 = arith.mulf %gather3A_428, %get3A_434 : vector<16xf32>
      %swap3A_436 = arith.index_cast %while3A_398 : i32 to index
      %swap3A_437 = arith.constant 32 : index
      %swap3A_438 = tpu.vector_load %arg10[%swap3A_436, %swap3A_437] {strides = array<i32>} : memref<79x128xf32, #tpu.memory_space<vmem>>, vector<16xf32>,
      tpu.vector_store %arg10[%swap3A_436, %swap3A_437], %mul3A_435 {strides = array<i32>} : memref<79x128xf32, #tpu.memory_space<vmem>>, vector<16xf32>,
      %get3A_439 = arith.index_cast %while3A_398 : i32 to index
      %get3A_440 = arith.constant 48 : index
      %get3A_441 = tpu.vector_load %arg7[%get3A_439, %get3A_440] {strides = array<i32>} : memref<79x128xi32, #tpu.memory_space<vmem>>, vector<16xi32>,
      %gather3A_442 = tpu.vector_load_idx %arg6[%get3A_441] : memref<10000xf32, #tpu.memory_space<vmem>>[vector<16xi32>], vector<16xf32>,
      %mul3A_443 = arith.constant 128 : i32
      %mul3A_444 = arith.muli %while3A_398, %mul3A_443 : i32
      %add3A_445 = arith.constant 48 : i32
      %add3A_446 = arith.addi %mul3A_444, %add3A_445 : i32
      %get3A_447 = arith.index_cast %add3A_446 : i32 to index
      %get3A_448 = tpu.vector_load %arg9[%get3A_447] {strides = array<i32>} : memref<10112xf32, #tpu.memory_space<vmem>>, vector<16xf32>,
      %mul3A_449 = arith.mulf %gather3A_442, %get3A_448 : vector<16xf32>
      %swap3A_450 = arith.index_cast %while3A_398 : i32 to index
      %swap3A_451 = arith.constant 48 : index
      %swap3A_452 = tpu.vector_load %arg10[%swap3A_450, %swap3A_451] {strides = array<i32>} : memref<79x128xf32, #tpu.memory_space<vmem>>, vector<16xf32>,
      tpu.vector_store %arg10[%swap3A_450, %swap3A_451], %mul3A_449 {strides = array<i32>} : memref<79x128xf32, #tpu.memory_space<vmem>>, vector<16xf32>,
      %get3A_453 = arith.index_cast %while3A_398 : i32 to index
      %get3A_454 = arith.constant 64 : index
      %get3A_455 = tpu.vector_load %arg7[%get3A_453, %get3A_454] {strides = array<i32>} : memref<79x128xi32, #tpu.memory_space<vmem>>, vector<16xi32>,
      %gather3A_456 = tpu.vector_load_idx %arg6[%get3A_455] : memref<10000xf32, #tpu.memory_space<vmem>>[vector<16xi32>], vector<16xf32>,
      %mul3A_457 = arith.constant 128 : i32
      %mul3A_458 = arith.muli %while3A_398, %mul3A_457 : i32
      %add3A_459 = arith.constant 64 : i32
      %add3A_460 = arith.addi %mul3A_458, %add3A_459 : i32
      %get3A_461 = arith.index_cast %add3A_460 : i32 to index
      %get3A_462 = tpu.vector_load %arg9[%get3A_461] {strides = array<i32>} : memref<10112xf32, #tpu.memory_space<vmem>>, vector<16xf32>,
      %mul3A_463 = arith.mulf %gather3A_456, %get3A_462 : vector<16xf32>
      %swap3A_464 = arith.index_cast %while3A_398 : i32 to index
      %swap3A_465 = arith.constant 64 : index
      %swap3A_466 = tpu.vector_load %arg10[%swap3A_464, %swap3A_465] {strides = array<i32>} : memref<79x128xf32, #tpu.memory_space<vmem>>, vector<16xf32>,
      tpu.vector_store %arg10[%swap3A_464, %swap3A_465], %mul3A_463 {strides = array<i32>} : memref<79x128xf32, #tpu.memory_space<vmem>>, vector<16xf32>,
      %get3A_467 = arith.index_cast %while3A_398 : i32 to index
      %get3A_468 = arith.constant 80 : index
      %get3A_469 = tpu.vector_load %arg7[%get3A_467, %get3A_468] {strides = array<i32>} : memref<79x128xi32, #tpu.memory_space<vmem>>, vector<16xi32>,
      %gather3A_470 = tpu.vector_load_idx %arg6[%get3A_469] : memref<10000xf32, #tpu.memory_space<vmem>>[vector<16xi32>], vector<16xf32>,
      %mul3A_471 = arith.constant 128 : i32
      %mul3A_472 = arith.muli %while3A_398, %mul3A_471 : i32
      %add3A_473 = arith.constant 80 : i32
      %add3A_474 = arith.addi %mul3A_472, %add3A_473 : i32
      %get3A_475 = arith.index_cast %add3A_474 : i32 to index
      %get3A_476 = tpu.vector_load %arg9[%get3A_475] {strides = array<i32>} : memref<10112xf32, #tpu.memory_space<vmem>>, vector<16xf32>,
      %mul3A_477 = arith.mulf %gather3A_470, %get3A_476 : vector<16xf32>
      %swap3A_478 = arith.index_cast %while3A_398 : i32 to index
      %swap3A_479 = arith.constant 80 : index
      %swap3A_480 = tpu.vector_load %arg10[%swap3A_478, %swap3A_479] {strides = array<i32>} : memref<79x128xf32, #tpu.memory_space<vmem>>, vector<16xf32>,
      tpu.vector_store %arg10[%swap3A_478, %swap3A_479], %mul3A_477 {strides = array<i32>} : memref<79x128xf32, #tpu.memory_space<vmem>>, vector<16xf32>,
      %get3A_481 = arith.index_cast %while3A_398 : i32 to index
      %get3A_482 = arith.constant 96 : index
      %get3A_483 = tpu.vector_load %arg7[%get3A_481, %get3A_482] {strides = array<i32>} : memref<79x128xi32, #tpu.memory_space<vmem>>, vector<16xi32>,
      %gather3A_484 = tpu.vector_load_idx %arg6[%get3A_483] : memref<10000xf32, #tpu.memory_space<vmem>>[vector<16xi32>], vector<16xf32>,
      %mul3A_485 = arith.constant 128 : i32
      %mul3A_486 = arith.muli %while3A_398, %mul3A_485 : i32
      %add3A_487 = arith.constant 96 : i32
      %add3A_488 = arith.addi %mul3A_486, %add3A_487 : i32
      %get3A_489 = arith.index_cast %add3A_488 : i32 to index
      %get3A_490 = tpu.vector_load %arg9[%get3A_489] {strides = array<i32>} : memref<10112xf32, #tpu.memory_space<vmem>>, vector<16xf32>,
      %mul3A_491 = arith.mulf %gather3A_484, %get3A_490 : vector<16xf32>
      %swap3A_492 = arith.index_cast %while3A_398 : i32 to index
      %swap3A_493 = arith.constant 96 : index
      %swap3A_494 = tpu.vector_load %arg10[%swap3A_492, %swap3A_493] {strides = array<i32>} : memref<79x128xf32, #tpu.memory_space<vmem>>, vector<16xf32>,
      tpu.vector_store %arg10[%swap3A_492, %swap3A_493], %mul3A_491 {strides = array<i32>} : memref<79x128xf32, #tpu.memory_space<vmem>>, vector<16xf32>,
      %get3A_495 = arith.index_cast %while3A_398 : i32 to index
      %get3A_496 = arith.constant 112 : index
      %get3A_497 = tpu.vector_load %arg7[%get3A_495, %get3A_496] {strides = array<i32>} : memref<79x128xi32, #tpu.memory_space<vmem>>, vector<16xi32>,
      %gather3A_498 = tpu.vector_load_idx %arg6[%get3A_497] : memref<10000xf32, #tpu.memory_space<vmem>>[vector<16xi32>], vector<16xf32>,
      %mul3A_499 = arith.constant 128 : i32
      %mul3A_500 = arith.muli %while3A_398, %mul3A_499 : i32
      %add3A_501 = arith.constant 112 : i32
      %add3A_502 = arith.addi %mul3A_500, %add3A_501 : i32
      %get3A_503 = arith.index_cast %add3A_502 : i32 to index
      %get3A_504 = tpu.vector_load %arg9[%get3A_503] {strides = array<i32>} : memref<10112xf32, #tpu.memory_space<vmem>>, vector<16xf32>,
      %mul3A_505 = arith.mulf %gather3A_498, %get3A_504 : vector<16xf32>
      %swap3A_506 = arith.index_cast %while3A_398 : i32 to index
      %swap3A_507 = arith.constant 112 : index
      %swap3A_508 = tpu.vector_load %arg10[%swap3A_506, %swap3A_507] {strides = array<i32>} : memref<79x128xf32, #tpu.memory_space<vmem>>, vector<16xf32>,
      tpu.vector_store %arg10[%swap3A_506, %swap3A_507], %mul3A_505 {strides = array<i32>} : memref<79x128xf32, #tpu.memory_space<vmem>>, vector<16xf32>,
      %dma_start3A_509 = arith.constant 0 : i32
      %dma_start3A_510 = tpu.memref_slice %arg10[%while3A_398, %dma_start3A_509] : memref<79x128xf32, #tpu.memory_space<vmem>> -> memref<1x128xf32, #tpu.memory_space<vmem>>
      %dma_start3A_511 = tpu.memref_squeeze %dma_start3A_510 : memref<1x128xf32, #tpu.memory_space<vmem>> -> memref<128xf32, #tpu.memory_space<vmem>>
      %dma_start3A_512 = arith.constant 0 : i32
      %dma_start3A_513 = tpu.memref_slice %arg8[%while3A_398, %dma_start3A_512] : memref<79x128xi32, #tpu.memory_space<vmem>> -> memref<1x128xi32, #tpu.memory_space<vmem>>
      %dma_start3A_514 = tpu.memref_squeeze %dma_start3A_513 : memref<1x128xi32, #tpu.memory_space<vmem>> -> memref<128xi32, #tpu.memory_space<vmem>>
      %dma_start3A_515 = arith.constant 0 : i32
      %dma_start3A_516 = tpu.memref_slice %arg12[%dma_start3A_515] : memref<10240xf32, #tpu.memory_space<vmem_shared>> -> memref<10240xf32, #tpu.memory_space<vmem_shared>>
      tpu.enqueue_indirect_dma source(%dma_start3A_511 : memref<128xf32, #tpu.memory_space<vmem>>) target(%dma_start3A_516 : memref<10240xf32, #tpu.memory_space<vmem_shared>>) offsets(%dma_start3A_514 : memref<128xi32, #tpu.memory_space<vmem>>) semaphore(%arg17 : memref<!tpu.dma_semaphore, #tpu.memory_space<semaphore_mem>>) {add = true}
      %ge3A = arith.constant 16 : i32
      %ge3A_517 = arith.cmpi sge, %while3A_398, %ge3A : i32
      %convert_element_type3A_518 = arith.extui %ge3A_517 : i1 to i32
      %cond3A_519 = arith.constant 0 : i32
      %cond3A_520 = arith.cmpi ne, %convert_element_type3A_518, %cond3A_519 : i32
      scf.if %cond3A_520 {
        %dma_wait3A_521 = arith.constant 0 : i32
        %dma_wait3A_522 = arith.constant 0 : i32
        %dma_wait3A_523 = arith.constant 0 : i32
        %dma_wait3A_524 = tpu.memref_slice %arg10[%dma_wait3A_521, %dma_wait3A_523] : memref<79x128xf32, #tpu.memory_space<vmem>> -> memref<1x128xf32, #tpu.memory_space<vmem>>
        %dma_wait3A_525 = tpu.memref_squeeze %dma_wait3A_524 : memref<1x128xf32, #tpu.memory_space<vmem>> -> memref<128xf32, #tpu.memory_space<vmem>>
        %dma_wait3A_526 = arith.constant 0 : i32
        %dma_wait3A_527 = tpu.memref_slice %arg8[%dma_wait3A_522, %dma_wait3A_526] : memref<79x128xi32, #tpu.memory_space<vmem>> -> memref<1x128xi32, #tpu.memory_space<vmem>>
        %dma_wait3A_528 = tpu.memref_squeeze %dma_wait3A_527 : memref<1x128xi32, #tpu.memory_space<vmem>> -> memref<128xi32, #tpu.memory_space<vmem>>
        %dma_wait3A_529 = arith.constant 0 : i32
        %dma_wait3A_530 = tpu.memref_slice %arg12[%dma_wait3A_529] : memref<10240xf32, #tpu.memory_space<vmem_shared>> -> memref<10240xf32, #tpu.memory_space<vmem_shared>>
        tpu.wait_indirect_dma semaphore(%arg17 : memref<!tpu.dma_semaphore, #tpu.memory_space<semaphore_mem>>) src(%dma_wait3A_525 : memref<128xf32, #tpu.memory_space<vmem>>) dst(%dma_wait3A_530 : memref<10240xf32, #tpu.memory_space<vmem_shared>>)
      } else {
      }
    }
    %while3A_380 = arith.constant 1 : i32
    scf.for %while3A_398 = %while3A_378 to %while3A_374 step %while3A_380  : i32 {
      %get3A = arith.index_cast %while3A_398 : i32 to index
      %get3A_399 = arith.constant 0 : index
      %get3A_400 = tpu.vector_load %arg7[%get3A, %get3A_399] {strides = array<i32>} : memref<79x128xi32, #tpu.memory_space<vmem>>, vector<16xi32>,
      %gather3A = tpu.vector_load_idx %arg6[%get3A_400] : memref<10000xf32, #tpu.memory_space<vmem>>[vector<16xi32>], vector<16xf32>,
      %mul3A_401 = arith.constant 128 : i32
      %mul3A_402 = arith.muli %while3A_398, %mul3A_401 : i32
      %add3A_403 = arith.constant 0 : i32
      %add3A_404 = arith.addi %mul3A_402, %add3A_403 : i32
      %get3A_405 = arith.index_cast %add3A_404 : i32 to index
      %get3A_406 = tpu.vector_load %arg9[%get3A_405] {strides = array<i32>} : memref<10112xf32, #tpu.memory_space<vmem>>, vector<16xf32>,
      %mul3A_407 = arith.mulf %gather3A, %get3A_406 : vector<16xf32>
      %swap3A_408 = arith.index_cast %while3A_398 : i32 to index
      %swap3A_409 = arith.constant 0 : index
      %swap3A_410 = tpu.vector_load %arg10[%swap3A_408, %swap3A_409] {strides = array<i32>} : memref<79x128xf32, #tpu.memory_space<vmem>>, vector<16xf32>,
      tpu.vector_store %arg10[%swap3A_408, %swap3A_409], %mul3A_407 {strides = array<i32>} : memref<79x128xf32, #tpu.memory_space<vmem>>, vector<16xf32>,
      %get3A_411 = arith.index_cast %while3A_398 : i32 to index
      %get3A_412 = arith.constant 16 : index
      %get3A_413 = tpu.vector_load %arg7[%get3A_411, %get3A_412] {strides = array<i32>} : memref<79x128xi32, #tpu.memory_space<vmem>>, vector<16xi32>,
      %gather3A_414 = tpu.vector_load_idx %arg6[%get3A_413] : memref<10000xf32, #tpu.memory_space<vmem>>[vector<16xi32>], vector<16xf32>,
      %mul3A_415 = arith.constant 128 : i32
      %mul3A_416 = arith.muli %while3A_398, %mul3A_415 : i32
      %add3A_417 = arith.constant 16 : i32
      %add3A_418 = arith.addi %mul3A_416, %add3A_417 : i32
      %get3A_419 = arith.index_cast %add3A_418 : i32 to index
      %get3A_420 = tpu.vector_load %arg9[%get3A_419] {strides = array<i32>} : memref<10112xf32, #tpu.memory_space<vmem>>, vector<16xf32>,
      %mul3A_421 = arith.mulf %gather3A_414, %get3A_420 : vector<16xf32>
      %swap3A_422 = arith.index_cast %while3A_398 : i32 to index
      %swap3A_423 = arith.constant 16 : index
      %swap3A_424 = tpu.vector_load %arg10[%swap3A_422, %swap3A_423] {strides = array<i32>} : memref<79x128xf32, #tpu.memory_space<vmem>>, vector<16xf32>,
      tpu.vector_store %arg10[%swap3A_422, %swap3A_423], %mul3A_421 {strides = array<i32>} : memref<79x128xf32, #tpu.memory_space<vmem>>, vector<16xf32>,
      %get3A_425 = arith.index_cast %while3A_398 : i32 to index
      %get3A_426 = arith.constant 32 : index
      %get3A_427 = tpu.vector_load %arg7[%get3A_425, %get3A_426] {strides = array<i32>} : memref<79x128xi32, #tpu.memory_space<vmem>>, vector<16xi32>,
      %gather3A_428 = tpu.vector_load_idx %arg6[%get3A_427] : memref<10000xf32, #tpu.memory_space<vmem>>[vector<16xi32>], vector<16xf32>,
      %mul3A_429 = arith.constant 128 : i32
      %mul3A_430 = arith.muli %while3A_398, %mul3A_429 : i32
      %add3A_431 = arith.constant 32 : i32
      %add3A_432 = arith.addi %mul3A_430, %add3A_431 : i32
      %get3A_433 = arith.index_cast %add3A_432 : i32 to index
      %get3A_434 = tpu.vector_load %arg9[%get3A_433] {strides = array<i32>} : memref<10112xf32, #tpu.memory_space<vmem>>, vector<16xf32>,
      %mul3A_435 = arith.mulf %gather3A_428, %get3A_434 : vector<16xf32>
      %swap3A_436 = arith.index_cast %while3A_398 : i32 to index
      %swap3A_437 = arith.constant 32 : index
      %swap3A_438 = tpu.vector_load %arg10[%swap3A_436, %swap3A_437] {strides = array<i32>} : memref<79x128xf32, #tpu.memory_space<vmem>>, vector<16xf32>,
      tpu.vector_store %arg10[%swap3A_436, %swap3A_437], %mul3A_435 {strides = array<i32>} : memref<79x128xf32, #tpu.memory_space<vmem>>, vector<16xf32>,
      %get3A_439 = arith.index_cast %while3A_398 : i32 to index
      %get3A_440 = arith.constant 48 : index
      %get3A_441 = tpu.vector_load %arg7[%get3A_439, %get3A_440] {strides = array<i32>} : memref<79x128xi32, #tpu.memory_space<vmem>>, vector<16xi32>,
      %gather3A_442 = tpu.vector_load_idx %arg6[%get3A_441] : memref<10000xf32, #tpu.memory_space<vmem>>[vector<16xi32>], vector<16xf32>,
      %mul3A_443 = arith.constant 128 : i32
      %mul3A_444 = arith.muli %while3A_398, %mul3A_443 : i32
      %add3A_445 = arith.constant 48 : i32
      %add3A_446 = arith.addi %mul3A_444, %add3A_445 : i32
      %get3A_447 = arith.index_cast %add3A_446 : i32 to index
      %get3A_448 = tpu.vector_load %arg9[%get3A_447] {strides = array<i32>} : memref<10112xf32, #tpu.memory_space<vmem>>, vector<16xf32>,
      %mul3A_449 = arith.mulf %gather3A_442, %get3A_448 : vector<16xf32>
      %swap3A_450 = arith.index_cast %while3A_398 : i32 to index
      %swap3A_451 = arith.constant 48 : index
      %swap3A_452 = tpu.vector_load %arg10[%swap3A_450, %swap3A_451] {strides = array<i32>} : memref<79x128xf32, #tpu.memory_space<vmem>>, vector<16xf32>,
      tpu.vector_store %arg10[%swap3A_450, %swap3A_451], %mul3A_449 {strides = array<i32>} : memref<79x128xf32, #tpu.memory_space<vmem>>, vector<16xf32>,
      %get3A_453 = arith.index_cast %while3A_398 : i32 to index
      %get3A_454 = arith.constant 64 : index
      %get3A_455 = tpu.vector_load %arg7[%get3A_453, %get3A_454] {strides = array<i32>} : memref<79x128xi32, #tpu.memory_space<vmem>>, vector<16xi32>,
      %gather3A_456 = tpu.vector_load_idx %arg6[%get3A_455] : memref<10000xf32, #tpu.memory_space<vmem>>[vector<16xi32>], vector<16xf32>,
      %mul3A_457 = arith.constant 128 : i32
      %mul3A_458 = arith.muli %while3A_398, %mul3A_457 : i32
      %add3A_459 = arith.constant 64 : i32
      %add3A_460 = arith.addi %mul3A_458, %add3A_459 : i32
      %get3A_461 = arith.index_cast %add3A_460 : i32 to index
      %get3A_462 = tpu.vector_load %arg9[%get3A_461] {strides = array<i32>} : memref<10112xf32, #tpu.memory_space<vmem>>, vector<16xf32>,
      %mul3A_463 = arith.mulf %gather3A_456, %get3A_462 : vector<16xf32>
      %swap3A_464 = arith.index_cast %while3A_398 : i32 to index
      %swap3A_465 = arith.constant 64 : index
      %swap3A_466 = tpu.vector_load %arg10[%swap3A_464, %swap3A_465] {strides = array<i32>} : memref<79x128xf32, #tpu.memory_space<vmem>>, vector<16xf32>,
      tpu.vector_store %arg10[%swap3A_464, %swap3A_465], %mul3A_463 {strides = array<i32>} : memref<79x128xf32, #tpu.memory_space<vmem>>, vector<16xf32>,
      %get3A_467 = arith.index_cast %while3A_398 : i32 to index
      %get3A_468 = arith.constant 80 : index
      %get3A_469 = tpu.vector_load %arg7[%get3A_467, %get3A_468] {strides = array<i32>} : memref<79x128xi32, #tpu.memory_space<vmem>>, vector<16xi32>,
      %gather3A_470 = tpu.vector_load_idx %arg6[%get3A_469] : memref<10000xf32, #tpu.memory_space<vmem>>[vector<16xi32>], vector<16xf32>,
      %mul3A_471 = arith.constant 128 : i32
      %mul3A_472 = arith.muli %while3A_398, %mul3A_471 : i32
      %add3A_473 = arith.constant 80 : i32
      %add3A_474 = arith.addi %mul3A_472, %add3A_473 : i32
      %get3A_475 = arith.index_cast %add3A_474 : i32 to index
      %get3A_476 = tpu.vector_load %arg9[%get3A_475] {strides = array<i32>} : memref<10112xf32, #tpu.memory_space<vmem>>, vector<16xf32>,
      %mul3A_477 = arith.mulf %gather3A_470, %get3A_476 : vector<16xf32>
      %swap3A_478 = arith.index_cast %while3A_398 : i32 to index
      %swap3A_479 = arith.constant 80 : index
      %swap3A_480 = tpu.vector_load %arg10[%swap3A_478, %swap3A_479] {strides = array<i32>} : memref<79x128xf32, #tpu.memory_space<vmem>>, vector<16xf32>,
      tpu.vector_store %arg10[%swap3A_478, %swap3A_479], %mul3A_477 {strides = array<i32>} : memref<79x128xf32, #tpu.memory_space<vmem>>, vector<16xf32>,
      %get3A_481 = arith.index_cast %while3A_398 : i32 to index
      %get3A_482 = arith.constant 96 : index
      %get3A_483 = tpu.vector_load %arg7[%get3A_481, %get3A_482] {strides = array<i32>} : memref<79x128xi32, #tpu.memory_space<vmem>>, vector<16xi32>,
      %gather3A_484 = tpu.vector_load_idx %arg6[%get3A_483] : memref<10000xf32, #tpu.memory_space<vmem>>[vector<16xi32>], vector<16xf32>,
      %mul3A_485 = arith.constant 128 : i32
      %mul3A_486 = arith.muli %while3A_398, %mul3A_485 : i32
      %add3A_487 = arith.constant 96 : i32
      %add3A_488 = arith.addi %mul3A_486, %add3A_487 : i32
      %get3A_489 = arith.index_cast %add3A_488 : i32 to index
      %get3A_490 = tpu.vector_load %arg9[%get3A_489] {strides = array<i32>} : memref<10112xf32, #tpu.memory_space<vmem>>, vector<16xf32>,
      %mul3A_491 = arith.mulf %gather3A_484, %get3A_490 : vector<16xf32>
      %swap3A_492 = arith.index_cast %while3A_398 : i32 to index
      %swap3A_493 = arith.constant 96 : index
      %swap3A_494 = tpu.vector_load %arg10[%swap3A_492, %swap3A_493] {strides = array<i32>} : memref<79x128xf32, #tpu.memory_space<vmem>>, vector<16xf32>,
      tpu.vector_store %arg10[%swap3A_492, %swap3A_493], %mul3A_491 {strides = array<i32>} : memref<79x128xf32, #tpu.memory_space<vmem>>, vector<16xf32>,
      %get3A_495 = arith.index_cast %while3A_398 : i32 to index
      %get3A_496 = arith.constant 112 : index
      %get3A_497 = tpu.vector_load %arg7[%get3A_495, %get3A_496] {strides = array<i32>} : memref<79x128xi32, #tpu.memory_space<vmem>>, vector<16xi32>,
      %gather3A_498 = tpu.vector_load_idx %arg6[%get3A_497] : memref<10000xf32, #tpu.memory_space<vmem>>[vector<16xi32>], vector<16xf32>,
      %mul3A_499 = arith.constant 128 : i32
      %mul3A_500 = arith.muli %while3A_398, %mul3A_499 : i32
      %add3A_501 = arith.constant 112 : i32
      %add3A_502 = arith.addi %mul3A_500, %add3A_501 : i32
      %get3A_503 = arith.index_cast %add3A_502 : i32 to index
      %get3A_504 = tpu.vector_load %arg9[%get3A_503] {strides = array<i32>} : memref<10112xf32, #tpu.memory_space<vmem>>, vector<16xf32>,
      %mul3A_505 = arith.mulf %gather3A_498, %get3A_504 : vector<16xf32>
      %swap3A_506 = arith.index_cast %while3A_398 : i32 to index
      %swap3A_507 = arith.constant 112 : index
      %swap3A_508 = tpu.vector_load %arg10[%swap3A_506, %swap3A_507] {strides = array<i32>} : memref<79x128xf32, #tpu.memory_space<vmem>>, vector<16xf32>,
      tpu.vector_store %arg10[%swap3A_506, %swap3A_507], %mul3A_505 {strides = array<i32>} : memref<79x128xf32, #tpu.memory_space<vmem>>, vector<16xf32>,
      %dma_start3A_509 = arith.constant 0 : i32
      %dma_start3A_510 = tpu.memref_slice %arg10[%while3A_398, %dma_start3A_509] : memref<79x128xf32, #tpu.memory_space<vmem>> -> memref<1x128xf32, #tpu.memory_space<vmem>>
      %dma_start3A_511 = tpu.memref_squeeze %dma_start3A_510 : memref<1x128xf32, #tpu.memory_space<vmem>> -> memref<128xf32, #tpu.memory_space<vmem>>
      %dma_start3A_512 = arith.constant 0 : i32
      %dma_start3A_513 = tpu.memref_slice %arg8[%while3A_398, %dma_start3A_512] : memref<79x128xi32, #tpu.memory_space<vmem>> -> memref<1x128xi32, #tpu.memory_space<vmem>>
      %dma_start3A_514 = tpu.memref_squeeze %dma_start3A_513 : memref<1x128xi32, #tpu.memory_space<vmem>> -> memref<128xi32, #tpu.memory_space<vmem>>
      %dma_start3A_515 = arith.constant 0 : i32
      %dma_start3A_516 = tpu.memref_slice %arg12[%dma_start3A_515] : memref<10240xf32, #tpu.memory_space<vmem_shared>> -> memref<10240xf32, #tpu.memory_space<vmem_shared>>
      tpu.enqueue_indirect_dma source(%dma_start3A_511 : memref<128xf32, #tpu.memory_space<vmem>>) target(%dma_start3A_516 : memref<10240xf32, #tpu.memory_space<vmem_shared>>) offsets(%dma_start3A_514 : memref<128xi32, #tpu.memory_space<vmem>>) semaphore(%arg17 : memref<!tpu.dma_semaphore, #tpu.memory_space<semaphore_mem>>) {add = true}
      %ge3A = arith.constant 16 : i32
      %ge3A_517 = arith.cmpi sge, %while3A_398, %ge3A : i32
      %convert_element_type3A_518 = arith.extui %ge3A_517 : i1 to i32
      %cond3A_519 = arith.constant 0 : i32
      %cond3A_520 = arith.cmpi ne, %convert_element_type3A_518, %cond3A_519 : i32
      scf.if %cond3A_520 {
        %dma_wait3A_521 = arith.constant 0 : i32
        %dma_wait3A_522 = arith.constant 0 : i32
        %dma_wait3A_523 = arith.constant 0 : i32
        %dma_wait3A_524 = tpu.memref_slice %arg10[%dma_wait3A_521, %dma_wait3A_523] : memref<79x128xf32, #tpu.memory_space<vmem>> -> memref<1x128xf32, #tpu.memory_space<vmem>>
        %dma_wait3A_525 = tpu.memref_squeeze %dma_wait3A_524 : memref<1x128xf32, #tpu.memory_space<vmem>> -> memref<128xf32, #tpu.memory_space<vmem>>
        %dma_wait3A_526 = arith.constant 0 : i32
        %dma_wait3A_527 = tpu.memref_slice %arg8[%dma_wait3A_522, %dma_wait3A_526] : memref<79x128xi32, #tpu.memory_space<vmem>> -> memref<1x128xi32, #tpu.memory_space<vmem>>
        %dma_wait3A_528 = tpu.memref_squeeze %dma_wait3A_527 : memref<1x128xi32, #tpu.memory_space<vmem>> -> memref<128xi32, #tpu.memory_space<vmem>>
        %dma_wait3A_529 = arith.constant 0 : i32
        %dma_wait3A_530 = tpu.memref_slice %arg12[%dma_wait3A_529] : memref<10240xf32, #tpu.memory_space<vmem_shared>> -> memref<10240xf32, #tpu.memory_space<vmem_shared>>
        tpu.wait_indirect_dma semaphore(%arg17 : memref<!tpu.dma_semaphore, #tpu.memory_space<semaphore_mem>>) src(%dma_wait3A_525 : memref<128xf32, #tpu.memory_space<vmem>>) dst(%dma_wait3A_530 : memref<10240xf32, #tpu.memory_space<vmem_shared>>)
      } else {
      }
    }
    %min3A_381 = arith.constant 16 : i32
    %min3A_382 = arith.minsi %add3A_7, %min3A_381 : i32
    %while3A_383 = arith.constant 0 : i32
    %while3A_384 = arith.constant 0 : i32
    %while3A_385 = arith.subi %min3A_382, %while3A_384 : i32
    %while3A_386 = arith.addi %while3A_384, %while3A_385 : i32
    %while3A_387 = arith.constant 1 : i32
    %while3A_388 = arith.divsi %while3A_385, %while3A_387 : i32
    %while3A_389 = arith.muli %while3A_388, %while3A_387 : i32
    %while3A_390 = arith.addi %while3A_384, %while3A_389 : i32
    %while3A_391 = arith.constant 1 : i32
    scf.for %while3A_398 = %while3A_384 to %while3A_390 step %while3A_391  : i32 {
      %dma_wait3A_399 = arith.constant 0 : i32
      %dma_wait3A_400 = arith.constant 0 : i32
      %dma_wait3A_401 = arith.constant 0 : i32
      %dma_wait3A_402 = tpu.memref_slice %arg10[%dma_wait3A_399, %dma_wait3A_401] : memref<79x128xf32, #tpu.memory_space<vmem>> -> memref<1x128xf32, #tpu.memory_space<vmem>>
      %dma_wait3A_403 = tpu.memref_squeeze %dma_wait3A_402 : memref<1x128xf32, #tpu.memory_space<vmem>> -> memref<128xf32, #tpu.memory_space<vmem>>
      %dma_wait3A_404 = arith.constant 0 : i32
      %dma_wait3A_405 = tpu.memref_slice %arg8[%dma_wait3A_400, %dma_wait3A_404] : memref<79x128xi32, #tpu.memory_space<vmem>> -> memref<1x128xi32, #tpu.memory_space<vmem>>
      %dma_wait3A_406 = tpu.memref_squeeze %dma_wait3A_405 : memref<1x128xi32, #tpu.memory_space<vmem>> -> memref<128xi32, #tpu.memory_space<vmem>>
      %dma_wait3A_407 = arith.constant 0 : i32
      %dma_wait3A_408 = tpu.memref_slice %arg12[%dma_wait3A_407] : memref<10240xf32, #tpu.memory_space<vmem_shared>> -> memref<10240xf32, #tpu.memory_space<vmem_shared>>
      tpu.wait_indirect_dma semaphore(%arg17 : memref<!tpu.dma_semaphore, #tpu.memory_space<semaphore_mem>>) src(%dma_wait3A_403 : memref<128xf32, #tpu.memory_space<vmem>>) dst(%dma_wait3A_408 : memref<10240xf32, #tpu.memory_space<vmem_shared>>)
    }
    %while3A_392 = arith.constant 1 : i32
    scf.for %while3A_398 = %while3A_390 to %while3A_386 step %while3A_392  : i32 {
      %dma_wait3A_399 = arith.constant 0 : i32
      %dma_wait3A_400 = arith.constant 0 : i32
      %dma_wait3A_401 = arith.constant 0 : i32
      %dma_wait3A_402 = tpu.memref_slice %arg10[%dma_wait3A_399, %dma_wait3A_401] : memref<79x128xf32, #tpu.memory_space<vmem>> -> memref<1x128xf32, #tpu.memory_space<vmem>>
      %dma_wait3A_403 = tpu.memref_squeeze %dma_wait3A_402 : memref<1x128xf32, #tpu.memory_space<vmem>> -> memref<128xf32, #tpu.memory_space<vmem>>
      %dma_wait3A_404 = arith.constant 0 : i32
      %dma_wait3A_405 = tpu.memref_slice %arg8[%dma_wait3A_400, %dma_wait3A_404] : memref<79x128xi32, #tpu.memory_space<vmem>> -> memref<1x128xi32, #tpu.memory_space<vmem>>
      %dma_wait3A_406 = tpu.memref_squeeze %dma_wait3A_405 : memref<1x128xi32, #tpu.memory_space<vmem>> -> memref<128xi32, #tpu.memory_space<vmem>>
      %dma_wait3A_407 = arith.constant 0 : i32
      %dma_wait3A_408 = tpu.memref_slice %arg12[%dma_wait3A_407] : memref<10240xf32, #tpu.memory_space<vmem_shared>> -> memref<10240xf32, #tpu.memory_space<vmem_shared>>
      tpu.wait_indirect_dma semaphore(%arg17 : memref<!tpu.dma_semaphore, #tpu.memory_space<semaphore_mem>>) src(%dma_wait3A_403 : memref<128xf32, #tpu.memory_space<vmem>>) dst(%dma_wait3A_408 : memref<10240xf32, #tpu.memory_space<vmem_shared>>)
    }
    %barrier3A_393 = arith.constant 0 : index
    tpu.barrier barrier_id(%barrier3A_393)
    %mul3A_394 = arith.constant 640 : i32
    %mul3A_395 = arith.muli %arg1, %mul3A_394 : i32
    %mul3A_396 = arith.constant 640 : i32
    %mul3A_397 = arith.muli %arg1, %mul3A_396 : i32
    "tpu.region"() ({
      %run_scoped3A = tpu.sem_alloc : memref<!tpu.dma_semaphore, #tpu.memory_space<semaphore_mem>>
      %dma_start3A_398 = tpu.memref_slice %arg5[%arg0, %mul3A_397] : memref<2x10240xf32, #tpu.memory_space<hbm>> -> memref<1x640xf32, #tpu.memory_space<hbm>>
      %dma_start3A_399 = tpu.memref_squeeze %dma_start3A_398 : memref<1x640xf32, #tpu.memory_space<hbm>> -> memref<640xf32, #tpu.memory_space<hbm>>
      %dma_start3A_400 = tpu.memref_slice %arg12[%mul3A_395] : memref<10240xf32, #tpu.memory_space<vmem_shared>> -> memref<640xf32, #tpu.memory_space<vmem_shared>>
      tpu.enqueue_dma source(%dma_start3A_400 : memref<640xf32, #tpu.memory_space<vmem_shared>>) target(%dma_start3A_399 : memref<640xf32, #tpu.memory_space<hbm>>) target_semaphore(%run_scoped3A : memref<!tpu.dma_semaphore, #tpu.memory_space<semaphore_mem>>)
      %dma_wait3A_401 = tpu.memref_slice %arg5[%arg0, %mul3A_397] : memref<2x10240xf32, #tpu.memory_space<hbm>> -> memref<1x640xf32, #tpu.memory_space<hbm>>
      %dma_wait3A_402 = tpu.memref_squeeze %dma_wait3A_401 : memref<1x640xf32, #tpu.memory_space<hbm>> -> memref<640xf32, #tpu.memory_space<hbm>>
      %dma_wait3A_403 = tpu.memref_slice %arg12[%mul3A_395] : memref<10240xf32, #tpu.memory_space<vmem_shared>> -> memref<640xf32, #tpu.memory_space<vmem_shared>>
      tpu.wait_dma2 semaphore(%run_scoped3A : memref<!tpu.dma_semaphore, #tpu.memory_space<semaphore_mem>>) src(%dma_wait3A_403 : memref<640xf32, #tpu.memory_space<vmem_shared>>) dst(%dma_wait3A_402 : memref<640xf32, #tpu.memory_space<hbm>>)
      tpu.yield
    }) : () -> ()
    return
  }
}

module attributes {stable_mosaic.version = 14 : i64} {
  func.func @_mv_body(%arg0: memref<1x128xf32, #tpu.memory_space<vmem>>, %arg1: memref<10000x128xf32, #tpu.memory_space<vmem>>, %arg2: memref<1x10000xf32, #tpu.memory_space<vmem>>) attributes {dimension_semantics = [], scalar_prefetch = 0 : i64, scratch_operands = 0 : i64, tpu.core_type = #tpu.core_type<tc>} {
    %get3A = arith.constant 0 : index
    %get3A_0 = arith.constant 0 : index
    %get3A_1 = vector.load %arg0[%get3A, %get3A_0] : memref<1x128xf32, #tpu.memory_space<vmem>>, vector<1x128xf32>
    %get3A_2 = arith.constant 0 : index
    %get3A_3 = arith.constant 0 : index
    %get3A_4 = vector.load %arg1[%get3A_2, %get3A_3] : memref<10000x128xf32, #tpu.memory_space<vmem>>, vector<10000x128xf32>
    %dot_general3A = arith.constant dense<0.000000e+00> : vector<1x10000xf32>
    %dot_general3A_5 = tpu.matmul %get3A_1, %get3A_4, %dot_general3A {dimension_numbers = #tpu.dot_dimension_numbers<[1], [1], [0], [0], [0, 0, 1, 0], [], []>, transpose_lhs_hint = false} : vector<1x128xf32>, vector<10000x128xf32>, vector<1x10000xf32> -> vector<1x10000xf32>
    %swap3A = arith.constant 0 : index
    %swap3A_6 = arith.constant 0 : index
    %swap3A_7 = vector.load %arg2[%swap3A, %swap3A_6] : memref<1x10000xf32, #tpu.memory_space<vmem>>, vector<1x10000xf32>
    tpu.vector_store %arg2[%swap3A, %swap3A_6], %dot_general3A_5 {strides = array<i32>} : memref<1x10000xf32, #tpu.memory_space<vmem>>, vector<1x10000xf32>,
    return
  }
}

module attributes {stable_mosaic.version = 14 : i64} {
  func.func @_scale_body(%arg0: i32, %arg1: memref<2048x128xf32, #tpu.memory_space<vmem>>, %arg2: memref<2x16x128xf32, #tpu.memory_space<vmem>>, %arg3: memref<1xf32, #tpu.memory_space<smem>>, %arg4: memref<128x128xf32, #tpu.memory_space<vmem>>, %arg5: memref<2048x128xf32, #tpu.memory_space<vmem>>) attributes {dimension_semantics = [#tpu.dimension_semantics<arbitrary>], iteration_bounds = array<i64: 5>, scalar_prefetch = 0 : i64, scratch_operands = 0 : i64, tpu.core_type = #tpu.core_type<tc>, window_params = [{transform_indices = @transform_0, window_bounds = array<i64: 2048, 128>}, {transform_indices = @transform_1, window_bounds = array<i64: 2, 16, 128>}, {transform_indices = @transform_2, window_bounds = array<i64: 1>}, {pipeline_mode = #tpu.pipeline_mode<synchronous>, transform_indices = @transform_3, window_bounds = array<i64: 128, 128>}, {transform_indices = @transform_4, window_bounds = array<i64: 2048, 128>}]} {
    %get3A = arith.constant 0 : index
    %get3A_0 = arith.constant 0 : index
    %get3A_1 = arith.constant 0 : index
    %get3A_2 = vector.load %arg2[%get3A, %get3A_0, %get3A_1] : memref<2x16x128xf32, #tpu.memory_space<vmem>>, vector<1x16x128xf32>
    %get3A_3 = vector.shape_cast %get3A_2 : vector<1x16x128xf32> to vector<16x128xf32>
    %get3A_4 = arith.constant 1 : index
    %get3A_5 = arith.constant 0 : index
    %get3A_6 = arith.constant 0 : index
    %get3A_7 = vector.load %arg2[%get3A_4, %get3A_5, %get3A_6] : memref<2x16x128xf32, #tpu.memory_space<vmem>>, vector<1x16x128xf32>
    %get3A_8 = vector.shape_cast %get3A_7 : vector<1x16x128xf32> to vector<16x128xf32>
    %add3A = arith.addf %get3A_3, %get3A_8 : vector<16x128xf32>
    %get3A_9 = arith.constant 0 : index
    %get3A_10 = memref.load %arg3[%get3A_9] : memref<1xf32, #tpu.memory_space<smem>>
    %add3A_11 = vector.broadcast %get3A_10 : f32 to vector<16x128xf32>
    %add3A_12 = arith.addf %add3A, %add3A_11 : vector<16x128xf32>
    %tanh3A = math.tanh %add3A_12 : vector<16x128xf32>
    %get3A_13 = arith.constant 0 : index
    %get3A_14 = arith.constant 0 : index
    %get3A_15 = vector.load %arg4[%get3A_13, %get3A_14] : memref<128x128xf32, #tpu.memory_space<vmem>>, vector<128x128xf32>
    %dot_general3A = arith.constant dense<0.000000e+00> : vector<128x16xf32>
    %dot_general3A_16 = tpu.matmul %get3A_15, %tanh3A, %dot_general3A {dimension_numbers = #tpu.dot_dimension_numbers<[1], [1], [0], [0], [0, 0, 1, 0], [], []>, precision = #tpu.contract_precision<fp32>, transpose_lhs_hint = false} : vector<128x128xf32>, vector<16x128xf32>, vector<128x16xf32> -> vector<128x16xf32>
    %get3A_17 = arith.constant 0 : index
    %get3A_18 = arith.constant 0 : index
    %get3A_19 = vector.load %arg1[%get3A_17, %get3A_18] : memref<2048x128xf32, #tpu.memory_space<vmem>>, vector<128x128xf32>
    %slice3A = vector.extract_strided_slice %dot_general3A_16 {offsets = [0, 0], sizes = [128, 1], strides = [1, 1]} : vector<128x16xf32> to vector<128x1xf32>
    %mul3A = vector.broadcast %slice3A : vector<128x1xf32> to vector<128x128xf32>
    %mul3A_20 = arith.mulf %get3A_19, %mul3A : vector<128x128xf32>
    %swap3A = arith.constant 0 : index
    %swap3A_21 = arith.constant 0 : index
    %swap3A_22 = vector.load %arg5[%swap3A, %swap3A_21] : memref<2048x128xf32, #tpu.memory_space<vmem>>, vector<128x128xf32>
    tpu.vector_store %arg5[%swap3A, %swap3A_21], %mul3A_20 {strides = array<i32>} : memref<2048x128xf32, #tpu.memory_space<vmem>>, vector<128x128xf32>,
    %get3A_23 = arith.constant 128 : index
    %get3A_24 = arith.constant 0 : index
    %get3A_25 = vector.load %arg1[%get3A_23, %get3A_24] : memref<2048x128xf32, #tpu.memory_space<vmem>>, vector<128x128xf32>
    %slice3A_26 = vector.extract_strided_slice %dot_general3A_16 {offsets = [0, 1], sizes = [128, 1], strides = [1, 1]} : vector<128x16xf32> to vector<128x1xf32>
    %mul3A_27 = vector.broadcast %slice3A_26 : vector<128x1xf32> to vector<128x128xf32>
    %mul3A_28 = arith.mulf %get3A_25, %mul3A_27 : vector<128x128xf32>
    %swap3A_29 = arith.constant 128 : index
    %swap3A_30 = arith.constant 0 : index
    %swap3A_31 = vector.load %arg5[%swap3A_29, %swap3A_30] : memref<2048x128xf32, #tpu.memory_space<vmem>>, vector<128x128xf32>
    tpu.vector_store %arg5[%swap3A_29, %swap3A_30], %mul3A_28 {strides = array<i32>} : memref<2048x128xf32, #tpu.memory_space<vmem>>, vector<128x128xf32>,
    %get3A_32 = arith.constant 256 : index
    %get3A_33 = arith.constant 0 : index
    %get3A_34 = vector.load %arg1[%get3A_32, %get3A_33] : memref<2048x128xf32, #tpu.memory_space<vmem>>, vector<128x128xf32>
    %slice3A_35 = vector.extract_strided_slice %dot_general3A_16 {offsets = [0, 2], sizes = [128, 1], strides = [1, 1]} : vector<128x16xf32> to vector<128x1xf32>
    %mul3A_36 = vector.broadcast %slice3A_35 : vector<128x1xf32> to vector<128x128xf32>
    %mul3A_37 = arith.mulf %get3A_34, %mul3A_36 : vector<128x128xf32>
    %swap3A_38 = arith.constant 256 : index
    %swap3A_39 = arith.constant 0 : index
    %swap3A_40 = vector.load %arg5[%swap3A_38, %swap3A_39] : memref<2048x128xf32, #tpu.memory_space<vmem>>, vector<128x128xf32>
    tpu.vector_store %arg5[%swap3A_38, %swap3A_39], %mul3A_37 {strides = array<i32>} : memref<2048x128xf32, #tpu.memory_space<vmem>>, vector<128x128xf32>,
    %get3A_41 = arith.constant 384 : index
    %get3A_42 = arith.constant 0 : index
    %get3A_43 = vector.load %arg1[%get3A_41, %get3A_42] : memref<2048x128xf32, #tpu.memory_space<vmem>>, vector<128x128xf32>
    %slice3A_44 = vector.extract_strided_slice %dot_general3A_16 {offsets = [0, 3], sizes = [128, 1], strides = [1, 1]} : vector<128x16xf32> to vector<128x1xf32>
    %mul3A_45 = vector.broadcast %slice3A_44 : vector<128x1xf32> to vector<128x128xf32>
    %mul3A_46 = arith.mulf %get3A_43, %mul3A_45 : vector<128x128xf32>
    %swap3A_47 = arith.constant 384 : index
    %swap3A_48 = arith.constant 0 : index
    %swap3A_49 = vector.load %arg5[%swap3A_47, %swap3A_48] : memref<2048x128xf32, #tpu.memory_space<vmem>>, vector<128x128xf32>
    tpu.vector_store %arg5[%swap3A_47, %swap3A_48], %mul3A_46 {strides = array<i32>} : memref<2048x128xf32, #tpu.memory_space<vmem>>, vector<128x128xf32>,
    %get3A_50 = arith.constant 512 : index
    %get3A_51 = arith.constant 0 : index
    %get3A_52 = vector.load %arg1[%get3A_50, %get3A_51] : memref<2048x128xf32, #tpu.memory_space<vmem>>, vector<128x128xf32>
    %slice3A_53 = vector.extract_strided_slice %dot_general3A_16 {offsets = [0, 4], sizes = [128, 1], strides = [1, 1]} : vector<128x16xf32> to vector<128x1xf32>
    %mul3A_54 = vector.broadcast %slice3A_53 : vector<128x1xf32> to vector<128x128xf32>
    %mul3A_55 = arith.mulf %get3A_52, %mul3A_54 : vector<128x128xf32>
    %swap3A_56 = arith.constant 512 : index
    %swap3A_57 = arith.constant 0 : index
    %swap3A_58 = vector.load %arg5[%swap3A_56, %swap3A_57] : memref<2048x128xf32, #tpu.memory_space<vmem>>, vector<128x128xf32>
    tpu.vector_store %arg5[%swap3A_56, %swap3A_57], %mul3A_55 {strides = array<i32>} : memref<2048x128xf32, #tpu.memory_space<vmem>>, vector<128x128xf32>,
    %get3A_59 = arith.constant 640 : index
    %get3A_60 = arith.constant 0 : index
    %get3A_61 = vector.load %arg1[%get3A_59, %get3A_60] : memref<2048x128xf32, #tpu.memory_space<vmem>>, vector<128x128xf32>
    %slice3A_62 = vector.extract_strided_slice %dot_general3A_16 {offsets = [0, 5], sizes = [128, 1], strides = [1, 1]} : vector<128x16xf32> to vector<128x1xf32>
    %mul3A_63 = vector.broadcast %slice3A_62 : vector<128x1xf32> to vector<128x128xf32>
    %mul3A_64 = arith.mulf %get3A_61, %mul3A_63 : vector<128x128xf32>
    %swap3A_65 = arith.constant 640 : index
    %swap3A_66 = arith.constant 0 : index
    %swap3A_67 = vector.load %arg5[%swap3A_65, %swap3A_66] : memref<2048x128xf32, #tpu.memory_space<vmem>>, vector<128x128xf32>
    tpu.vector_store %arg5[%swap3A_65, %swap3A_66], %mul3A_64 {strides = array<i32>} : memref<2048x128xf32, #tpu.memory_space<vmem>>, vector<128x128xf32>,
    %get3A_68 = arith.constant 768 : index
    %get3A_69 = arith.constant 0 : index
    %get3A_70 = vector.load %arg1[%get3A_68, %get3A_69] : memref<2048x128xf32, #tpu.memory_space<vmem>>, vector<128x128xf32>
    %slice3A_71 = vector.extract_strided_slice %dot_general3A_16 {offsets = [0, 6], sizes = [128, 1], strides = [1, 1]} : vector<128x16xf32> to vector<128x1xf32>
    %mul3A_72 = vector.broadcast %slice3A_71 : vector<128x1xf32> to vector<128x128xf32>
    %mul3A_73 = arith.mulf %get3A_70, %mul3A_72 : vector<128x128xf32>
    %swap3A_74 = arith.constant 768 : index
    %swap3A_75 = arith.constant 0 : index
    %swap3A_76 = vector.load %arg5[%swap3A_74, %swap3A_75] : memref<2048x128xf32, #tpu.memory_space<vmem>>, vector<128x128xf32>
    tpu.vector_store %arg5[%swap3A_74, %swap3A_75], %mul3A_73 {strides = array<i32>} : memref<2048x128xf32, #tpu.memory_space<vmem>>, vector<128x128xf32>,
    %get3A_77 = arith.constant 896 : index
    %get3A_78 = arith.constant 0 : index
    %get3A_79 = vector.load %arg1[%get3A_77, %get3A_78] : memref<2048x128xf32, #tpu.memory_space<vmem>>, vector<128x128xf32>
    %slice3A_80 = vector.extract_strided_slice %dot_general3A_16 {offsets = [0, 7], sizes = [128, 1], strides = [1, 1]} : vector<128x16xf32> to vector<128x1xf32>
    %mul3A_81 = vector.broadcast %slice3A_80 : vector<128x1xf32> to vector<128x128xf32>
    %mul3A_82 = arith.mulf %get3A_79, %mul3A_81 : vector<128x128xf32>
    %swap3A_83 = arith.constant 896 : index
    %swap3A_84 = arith.constant 0 : index
    %swap3A_85 = vector.load %arg5[%swap3A_83, %swap3A_84] : memref<2048x128xf32, #tpu.memory_space<vmem>>, vector<128x128xf32>
    tpu.vector_store %arg5[%swap3A_83, %swap3A_84], %mul3A_82 {strides = array<i32>} : memref<2048x128xf32, #tpu.memory_space<vmem>>, vector<128x128xf32>,
    %get3A_86 = arith.constant 1024 : index
    %get3A_87 = arith.constant 0 : index
    %get3A_88 = vector.load %arg1[%get3A_86, %get3A_87] : memref<2048x128xf32, #tpu.memory_space<vmem>>, vector<128x128xf32>
    %slice3A_89 = vector.extract_strided_slice %dot_general3A_16 {offsets = [0, 8], sizes = [128, 1], strides = [1, 1]} : vector<128x16xf32> to vector<128x1xf32>
    %mul3A_90 = vector.broadcast %slice3A_89 : vector<128x1xf32> to vector<128x128xf32>
    %mul3A_91 = arith.mulf %get3A_88, %mul3A_90 : vector<128x128xf32>
    %swap3A_92 = arith.constant 1024 : index
    %swap3A_93 = arith.constant 0 : index
    %swap3A_94 = vector.load %arg5[%swap3A_92, %swap3A_93] : memref<2048x128xf32, #tpu.memory_space<vmem>>, vector<128x128xf32>
    tpu.vector_store %arg5[%swap3A_92, %swap3A_93], %mul3A_91 {strides = array<i32>} : memref<2048x128xf32, #tpu.memory_space<vmem>>, vector<128x128xf32>,
    %get3A_95 = arith.constant 1152 : index
    %get3A_96 = arith.constant 0 : index
    %get3A_97 = vector.load %arg1[%get3A_95, %get3A_96] : memref<2048x128xf32, #tpu.memory_space<vmem>>, vector<128x128xf32>
    %slice3A_98 = vector.extract_strided_slice %dot_general3A_16 {offsets = [0, 9], sizes = [128, 1], strides = [1, 1]} : vector<128x16xf32> to vector<128x1xf32>
    %mul3A_99 = vector.broadcast %slice3A_98 : vector<128x1xf32> to vector<128x128xf32>
    %mul3A_100 = arith.mulf %get3A_97, %mul3A_99 : vector<128x128xf32>
    %swap3A_101 = arith.constant 1152 : index
    %swap3A_102 = arith.constant 0 : index
    %swap3A_103 = vector.load %arg5[%swap3A_101, %swap3A_102] : memref<2048x128xf32, #tpu.memory_space<vmem>>, vector<128x128xf32>
    tpu.vector_store %arg5[%swap3A_101, %swap3A_102], %mul3A_100 {strides = array<i32>} : memref<2048x128xf32, #tpu.memory_space<vmem>>, vector<128x128xf32>,
    %get3A_104 = arith.constant 1280 : index
    %get3A_105 = arith.constant 0 : index
    %get3A_106 = vector.load %arg1[%get3A_104, %get3A_105] : memref<2048x128xf32, #tpu.memory_space<vmem>>, vector<128x128xf32>
    %slice3A_107 = vector.extract_strided_slice %dot_general3A_16 {offsets = [0, 10], sizes = [128, 1], strides = [1, 1]} : vector<128x16xf32> to vector<128x1xf32>
    %mul3A_108 = vector.broadcast %slice3A_107 : vector<128x1xf32> to vector<128x128xf32>
    %mul3A_109 = arith.mulf %get3A_106, %mul3A_108 : vector<128x128xf32>
    %swap3A_110 = arith.constant 1280 : index
    %swap3A_111 = arith.constant 0 : index
    %swap3A_112 = vector.load %arg5[%swap3A_110, %swap3A_111] : memref<2048x128xf32, #tpu.memory_space<vmem>>, vector<128x128xf32>
    tpu.vector_store %arg5[%swap3A_110, %swap3A_111], %mul3A_109 {strides = array<i32>} : memref<2048x128xf32, #tpu.memory_space<vmem>>, vector<128x128xf32>,
    %get3A_113 = arith.constant 1408 : index
    %get3A_114 = arith.constant 0 : index
    %get3A_115 = vector.load %arg1[%get3A_113, %get3A_114] : memref<2048x128xf32, #tpu.memory_space<vmem>>, vector<128x128xf32>
    %slice3A_116 = vector.extract_strided_slice %dot_general3A_16 {offsets = [0, 11], sizes = [128, 1], strides = [1, 1]} : vector<128x16xf32> to vector<128x1xf32>
    %mul3A_117 = vector.broadcast %slice3A_116 : vector<128x1xf32> to vector<128x128xf32>
    %mul3A_118 = arith.mulf %get3A_115, %mul3A_117 : vector<128x128xf32>
    %swap3A_119 = arith.constant 1408 : index
    %swap3A_120 = arith.constant 0 : index
    %swap3A_121 = vector.load %arg5[%swap3A_119, %swap3A_120] : memref<2048x128xf32, #tpu.memory_space<vmem>>, vector<128x128xf32>
    tpu.vector_store %arg5[%swap3A_119, %swap3A_120], %mul3A_118 {strides = array<i32>} : memref<2048x128xf32, #tpu.memory_space<vmem>>, vector<128x128xf32>,
    %get3A_122 = arith.constant 1536 : index
    %get3A_123 = arith.constant 0 : index
    %get3A_124 = vector.load %arg1[%get3A_122, %get3A_123] : memref<2048x128xf32, #tpu.memory_space<vmem>>, vector<128x128xf32>
    %slice3A_125 = vector.extract_strided_slice %dot_general3A_16 {offsets = [0, 12], sizes = [128, 1], strides = [1, 1]} : vector<128x16xf32> to vector<128x1xf32>
    %mul3A_126 = vector.broadcast %slice3A_125 : vector<128x1xf32> to vector<128x128xf32>
    %mul3A_127 = arith.mulf %get3A_124, %mul3A_126 : vector<128x128xf32>
    %swap3A_128 = arith.constant 1536 : index
    %swap3A_129 = arith.constant 0 : index
    %swap3A_130 = vector.load %arg5[%swap3A_128, %swap3A_129] : memref<2048x128xf32, #tpu.memory_space<vmem>>, vector<128x128xf32>
    tpu.vector_store %arg5[%swap3A_128, %swap3A_129], %mul3A_127 {strides = array<i32>} : memref<2048x128xf32, #tpu.memory_space<vmem>>, vector<128x128xf32>,
    %get3A_131 = arith.constant 1664 : index
    %get3A_132 = arith.constant 0 : index
    %get3A_133 = vector.load %arg1[%get3A_131, %get3A_132] : memref<2048x128xf32, #tpu.memory_space<vmem>>, vector<128x128xf32>
    %slice3A_134 = vector.extract_strided_slice %dot_general3A_16 {offsets = [0, 13], sizes = [128, 1], strides = [1, 1]} : vector<128x16xf32> to vector<128x1xf32>
    %mul3A_135 = vector.broadcast %slice3A_134 : vector<128x1xf32> to vector<128x128xf32>
    %mul3A_136 = arith.mulf %get3A_133, %mul3A_135 : vector<128x128xf32>
    %swap3A_137 = arith.constant 1664 : index
    %swap3A_138 = arith.constant 0 : index
    %swap3A_139 = vector.load %arg5[%swap3A_137, %swap3A_138] : memref<2048x128xf32, #tpu.memory_space<vmem>>, vector<128x128xf32>
    tpu.vector_store %arg5[%swap3A_137, %swap3A_138], %mul3A_136 {strides = array<i32>} : memref<2048x128xf32, #tpu.memory_space<vmem>>, vector<128x128xf32>,
    %get3A_140 = arith.constant 1792 : index
    %get3A_141 = arith.constant 0 : index
    %get3A_142 = vector.load %arg1[%get3A_140, %get3A_141] : memref<2048x128xf32, #tpu.memory_space<vmem>>, vector<128x128xf32>
    %slice3A_143 = vector.extract_strided_slice %dot_general3A_16 {offsets = [0, 14], sizes = [128, 1], strides = [1, 1]} : vector<128x16xf32> to vector<128x1xf32>
    %mul3A_144 = vector.broadcast %slice3A_143 : vector<128x1xf32> to vector<128x128xf32>
    %mul3A_145 = arith.mulf %get3A_142, %mul3A_144 : vector<128x128xf32>
    %swap3A_146 = arith.constant 1792 : index
    %swap3A_147 = arith.constant 0 : index
    %swap3A_148 = vector.load %arg5[%swap3A_146, %swap3A_147] : memref<2048x128xf32, #tpu.memory_space<vmem>>, vector<128x128xf32>
    tpu.vector_store %arg5[%swap3A_146, %swap3A_147], %mul3A_145 {strides = array<i32>} : memref<2048x128xf32, #tpu.memory_space<vmem>>, vector<128x128xf32>,
    %get3A_149 = arith.constant 1920 : index
    %get3A_150 = arith.constant 0 : index
    %get3A_151 = vector.load %arg1[%get3A_149, %get3A_150] : memref<2048x128xf32, #tpu.memory_space<vmem>>, vector<128x128xf32>
    %slice3A_152 = vector.extract_strided_slice %dot_general3A_16 {offsets = [0, 15], sizes = [128, 1], strides = [1, 1]} : vector<128x16xf32> to vector<128x1xf32>
    %mul3A_153 = vector.broadcast %slice3A_152 : vector<128x1xf32> to vector<128x128xf32>
    %mul3A_154 = arith.mulf %get3A_151, %mul3A_153 : vector<128x128xf32>
    %swap3A_155 = arith.constant 1920 : index
    %swap3A_156 = arith.constant 0 : index
    %swap3A_157 = vector.load %arg5[%swap3A_155, %swap3A_156] : memref<2048x128xf32, #tpu.memory_space<vmem>>, vector<128x128xf32>
    tpu.vector_store %arg5[%swap3A_155, %swap3A_156], %mul3A_154 {strides = array<i32>} : memref<2048x128xf32, #tpu.memory_space<vmem>>, vector<128x128xf32>,
    return
  }
  func.func @transform_0(%arg0: i32) -> (i32, i32) {
    %c0_i32 = arith.constant 0 : i32
    %c0_i32_0 = arith.constant 0 : i32
    return %arg0, %c0_i32 : i32, i32
  }
  func.func @transform_1(%arg0: i32) -> (i32, i32, i32) {
    %c0_i32 = arith.constant 0 : i32
    %c0_i32_0 = arith.constant 0 : i32
    %c0_i32_1 = arith.constant 0 : i32
    return %c0_i32, %arg0, %c0_i32_0 : i32, i32, i32
  }
  func.func @transform_2(%arg0: i32) -> i32 {
    %c0_i32 = arith.constant 0 : i32
    %c0_i32_0 = arith.constant 0 : i32
    return %c0_i32 : i32
  }
  func.func @transform_3(%arg0: i32) -> (i32, i32) {
    %c0_i32 = arith.constant 0 : i32
    %c0_i32_0 = arith.constant 0 : i32
    %c0_i32_1 = arith.constant 0 : i32
    return %c0_i32, %c0_i32_0 : i32, i32
  }
  func.func @transform_4(%arg0: i32) -> (i32, i32) {
    %c0_i32 = arith.constant 0 : i32
    %c0_i32_0 = arith.constant 0 : i32
    return %arg0, %c0_i32 : i32, i32
  }
}

</mosaic_0001>

<sc_bundles>
// kernel: kernel.5.cloned.1.call-start
scs
__scs_entry_jumppad:
0x0: {  	(pc) =	sbr.rel $0x88, $3  }
0x1: {  	(tag) =	ssettag $0x0;
	lr =	simm.s32 $0x1  }
0x2: {  	[smem:$0x3F9C] =	sst lr;
	_ =	strace $0xD0000000  }
0x3: {  	_ = 	snop  }
0x4: {  	_ = 	snop  }
0x5: {  	_ = 	snop  }
0x6: {  	_ = 	snop  }
0x7: {  	_ = 	snop  }
__scs_overlays_trampoline_lowered:
0x8: {  	[smem:$0x3FAB] =	sst s0  }
0x9: {  	[smem:$0x3FAC] =	sst s1  }
0xa: {  	[smem:$0x3FAD] =	sst s2  }
0xb: {  	[smem:$0x3FAE] =	sst s3  }
0xc: {  	[smem:$0x3FAF] =	sst s4  }
0xd: {  	[smem:$0x3FB0] =	sst s5  }
0xe: {  	[smem:$0x3FB1] =	sst s6  }
0xf: {  	[smem:$0x3FB2] =	sst s7  }
0x10: {  	[smem:$0x3FB3] =	sst s8  }
0x11: {  	[smem:$0x3FB4] =	sst s9;
	s0 =	simm.s32 @!p0 $0x0  }
0x12: {  	s1 =	sld [smem:$0x3F9A];
	s0 =	simm.s32 @p0 $0x1  }
0x13: {  	[smem:$0x3FB5] =	sst s0;
	s0 =	simm.s32 @!p1 $0x0  }
0x14: {  	s2 =	sld [smem:$0x3F99];
	s0 =	simm.s32 @p1 $0x1  }
0x15: {  	[smem:$0x3FB6] =	sst s0;
	s0 =	simm.s32 @!p2 $0x0  }
0x16: {  	s3 =	sld [smem:$0x3FDB];
	s0 =	simm.s32 @p2 $0x1  }
0x17: {  	s4 =	simm.s32 $0x1BF5;
	[smem:$0x3FB8] =	sst s0  }
0x18: {  	s0 =	sld [smem:$0x3F9B];
	_ =	swait.ge [sflag:s4], $0x0  }
0x19: {  	s7 =	sld [smem:$0x3F9C]  }
0x1a: {  	s8 =	sadd.s32 $0xFFFFE003, lr  }
0x1b: {  	s9 =	sadd.s32 $0xFFFFFEF7, lr;
	s5 =	simm.s32 $0xFFFFFFFF;
	p2 =	slt.u32 s8, $0xFFFFF086  }
0x1c: {  	p1 =	slt.u32 s9, $0xF7A;
	s5 =	simm.s32 @!p2 $0x0  }
0x1d: {  	s5 =	simm.s32 @p1 $0x1;
	p0 =	seq.s32 s7, s2  }
0x1e: {  	s7 =	smul.u32 @!p0 $0xF7A, s2;
	p2 =	seq.s32 @!p0 s5, $0x0  }
0x1f: {  	s9 =	smul.u32 $0xF7A, s1;
	s8 =	simm.s32 @!p0 $0x1BF5;
	p2 =	por !p2, p0  }
0x20: {  	[sflag:s8] =	ssyncset.s32 @!p0 $0xFFFFF086;
	s6 =	sadd.s32 @!p0 s3, s7;
	s7 =	simm.s32 @!p0 $0x108  }
0x21: {  	s3 =	sadd.s32 s3, s9;
	s6 =	sadd.s32 @!p0 $0x88, s6;
	s7 =	simm.s32 @p2 $0x1082  }
0x22: {  	[simem:s7], [sflag:s8] =	dma.local @!p0 [hbm:s6], $0xF7A  }
0x23: {  	s9 =	sor.u32 $0xD0000000, s2;
	s6 =	simm.s32 $0x108;
	_ =	swait.ge @!p0 [sflag:s8], $0x0  }
0x24: {  	s3 =	sadd.s32 $0x88, s3;
	s6 =	simm.s32 @!p1 $0x1082;
	[sflag:s4] =	ssyncset.s32 $0xFFFFF086  }
0x25: {  	[simem:s6], [sflag:s4] =	dma.local [hbm:s3], $0xF7A  }
0x26: {  	[smem:$0x3F9C] =	sst s1;
	(tag) =	ssettag s2;
	_ =	strace s9  }
0x27: {  	s1 =	sld [smem:$0x3FAC]  }
0x28: {  	s2 =	sld [smem:$0x3FAD]  }
0x29: {  	s4 =	sld [smem:$0x3FAF]  }
0x2a: {  	p0 =	seq.s32 s5, $0x0;
	s5 =	sld [smem:$0x3FB0]  }
0x2b: {  	s6 =	sld [smem:$0x3FB1]  }
0x2c: {  	s7 =	sld [smem:$0x3FB2]  }
0x2d: {  	s3 =	simm.s32 $0x108;
	s8 =	sld [smem:$0x3FB3]  }
0x2e: {  	s3 =	simm.s32 @!p0 $0x1082;
	s9 =	sld [smem:$0x3FB4]  }
0x2f: {  	lr =	sadd.s32 s0, s3;
	s0 =	sld [smem:$0x3FAB]  }
0x30: {  	s3 =	sld [smem:$0x3FAE]  }
0x31: {  	[smem:$0x3FB7] =	sst s10  }
0x32: {  	s10 =	sld [smem:$0x3FB5];
	_ =	sdelay $0x3  }
0x33: {  	p0 =	seq.s32 s10, $0x1;
	s10 =	sld [smem:$0x3FB7];
	_ =	sdelay $0x3  }
0x34: {  	[smem:$0x3FB7] =	sst s10  }
0x35: {  	s10 =	sld [smem:$0x3FB6];
	_ =	sdelay $0x3  }
0x36: {  	p1 =	seq.s32 s10, $0x1;
	s10 =	sld [smem:$0x3FB7];
	_ =	sdelay $0x3  }
0x37: {  	[smem:$0x3FB7] =	sst s10  }
0x38: {  	s10 =	sld [smem:$0x3FB8]  }
0x39: {  	_ = 	snop;
	(pc) =	sbr.ind lr, $3  }
0x3a: {  	_ = 	snop  }
0x3b: {  	_ = 	snop  }
0x3c: {  	p2 =	seq.s32 s10, $0x1;
	s10 =	sld [smem:$0x3FB7]  }
0x3d: {  	_ =	shalt  }
0x3e: {  	_ =	shalt  }
0x3f: {  	_ =	shalt  }
0x40: {  	_ =	shalt  }
0x41: {  	_ =	shalt  }
0x42: {  	_ =	shalt  }
0x43: {  	_ =	shalt  }
0x44: {  	_ =	shalt  }
0x45: {  	_ =	shalt  }
0x46: {  	_ =	shalt  }
0x47: {  	_ =	shalt  }
0x48: {  	_ =	shalt  }
0x49: {  	_ =	shalt  }
0x4a: {  	_ =	shalt  }
0x4b: {  	_ =	shalt  }
0x4c: {  	_ =	shalt  }
0x4d: {  	_ =	shalt  }
0x4e: {  	_ =	shalt  }
0x4f: {  	_ =	shalt  }
0x50: {  	_ =	shalt  }
0x51: {  	_ =	shalt  }
0x52: {  	_ =	shalt  }
0x53: {  	_ =	shalt  }
0x54: {  	_ =	shalt  }
0x55: {  	_ =	shalt  }
0x56: {  	_ =	shalt  }
0x57: {  	_ =	shalt  }
0x58: {  	_ =	shalt  }
0x59: {  	_ =	shalt  }
0x5a: {  	_ =	shalt  }
0x5b: {  	_ =	shalt  }
0x5c: {  	_ =	shalt  }
0x5d: {  	_ =	shalt  }
0x5e: {  	_ =	shalt  }
0x5f: {  	_ =	shalt  }
0x60: {  	_ =	shalt  }
0x61: {  	_ =	shalt  }
0x62: {  	_ =	shalt  }
0x63: {  	_ =	shalt  }
0x64: {  	_ =	shalt  }
0x65: {  	_ =	shalt  }
0x66: {  	_ =	shalt  }
0x67: {  	_ =	shalt  }
0x68: {  	_ =	shalt  }
0x69: {  	_ =	shalt  }
0x6a: {  	_ =	shalt  }
0x6b: {  	_ =	shalt  }
0x6c: {  	_ =	shalt  }
0x6d: {  	_ =	shalt  }
0x6e: {  	_ =	shalt  }
0x6f: {  	_ =	shalt  }
0x70: {  	_ =	shalt  }
0x71: {  	_ =	shalt  }
0x72: {  	_ =	shalt  }
0x73: {  	_ =	shalt  }
0x74: {  	_ =	shalt  }
0x75: {  	_ =	shalt  }
0x76: {  	_ =	shalt  }
0x77: {  	_ =	shalt  }
0x78: {  	_ =	shalt  }
0x79: {  	_ =	shalt  }
0x7a: {  	_ =	shalt  }
0x7b: {  	_ =	shalt  }
0x7c: {  	_ =	shalt  }
0x7d: {  	_ =	shalt  }
0x7e: {  	_ =	shalt  }
0x7f: {  	_ =	shalt  }
0x80: {  	_ =	shalt  }
0x81: {  	_ =	shalt  }
0x82: {  	_ =	shalt  }
0x83: {  	_ =	shalt  }
0x84: {  	_ =	shalt  }
0x85: {  	_ =	shalt  }
0x86: {  	_ =	shalt  }
0x87: {  	_ =	shalt  }
.Lfunc_end0:
.L_simem_size_0:
called_computation_lowered:
.L_overlay_start_0:
0x88: {  	s2 =	sld [smem:$0x3FD9]  }
0x89: {  	s3 =	sld [smem:$0x3FFE];
	_ =	sdelay $0x1  }
0x8a: {  	s1 =	srdreg.scid  }
0x8b: {  	s0 =	sand.u32 $0x1, s1  }
0x8c: {  	s17 =	sshll.u32 s0, $0xA;
	s2 =	sadd.s32 s3, s2  }
0x8d: {  	s2 =	sadd.s32 s2, s17  }
0x8e: {  	[smem:$0x3FC3] =	sst s2  }
0x8f: {  	_ = 	snop  }
0x90: {  	s2 =	sld [smem:$0x3FC7]  }
0x91: {  	s18 =	sld [smem:$0x3FD0];
	(tm) =	ssettm $0x1  }
0x92: {  	s4 =	sld [smem:$0x3FFB];
	_ =	sdelay $0x3  }
0x93: {  	_ =	strace s4  }
0x94: {  	s4 =	sld [smem:$0x3FFC];
	_ =	sdelay $0x3  }
0x95: {  	_ =	strace s4  }
0x96: {  	s4 =	sld [smem:$0x3FFD];
	_ =	sdelay $0x3  }
0x97: {  	_ =	strace s4  }
0x98: {  	_ =	strace $0x8FFFFFFF  }
0x99: {  	s19 =	sld [smem:$0x3FDB];
	_ =	sdelay $0x1  }
0x9a: {  	s5 =	simm.s32 $_scs_section_size  }
0x9b: {  	s6 =	simm.s32 $_size__tile_overlayer_lowered;
	s7 =	simm.s32 $_tile_overlayer_lowered  }
0x9c: {  	s22 =	simm.s32 $0x1BFF;
	s21 =	sshll.u32 s7, $0x1;
	s4 =	sadd.s32 s5, s19  }
0x9d: {  	s8 =	simm.s32 $0x0;
	s20 =	sshll.u32 s6, $0x1;
	s6 =	sadd.s32 s21, s4  }
0x9e: {  	[timem:s8], [sflag:s22] =	dma.local [hbm:s6], s20  }
0x9f: {  	_ =	swait.ge [sflag:s22], s20  }
0xa0: {  	s5 =	ssub.s32 $0x0, s20;
	[sflag:s22] =	ssyncset.done $0x0  }
0xa1: {  	[sflag:s22] =	ssyncadd.s32 s5;
	_ =	sdelay $0x1  }
0xa2: {  	s23 =	simm.s32 $0x1B8B  }
0xa3: {  	_ =	swait.ge [sflag:s23], $0x1  }
0xa4: {  	[sflag:s23] =	ssyncset.done $0x0  }
0xa5: {  	s25 =	simm.s32 $0x1B8E;
	s24 =	sld [smem:$0x3FFE];
	[sflag:s23] =	ssyncadd.s32 $0xFFFFFFFF  }
0xa6: {  	s26 =	simm.s32 $execute0_lowered;
	[smem:$0x3FD2] =	sst s25  }
0xa7: {  	s6 =	sshll.u32 s26, $0x1;
	_ =	strace $0x80000046;
	[dreg:$0x1] =	wrdreg $0xFFFFFFFF  }
0xa8: {  	s28 =	simm.s32 $_size_execute0_lowered;
	s4 =	sadd.s32 s4, s6;
	[dreg:$0x0] =	wrdreg $0x0  }
0xa9: {  	s6 =	sshll.u32 s28, $0x1;
	[dreg:$0x2] =	wrdreg s4  }
0xaa: {  	[dreg:$0x3] =	wrdreg s6  }
0xab: {  	[dreg:$0x4] =	wrdreg $0xC0  }
0xac: {  	_ =	task [dreg:s8], $0x5FFFF  }
0xad: {  	[dreg:$0x1] =	wrdreg $0xFFFFFFFF  }
0xae: {  	[dreg:$0x0] =	wrdreg $0x60  }
0xaf: {  	[dreg:$0x2] =	wrdreg s24  }
0xb0: {  	[dreg:$0x3] =	wrdreg s18  }
0xb1: {  	[dreg:$0x4] =	wrdreg s2  }
0xb2: {  	[dreg:$0x5] =	wrdreg $0xC7900  }
0xb3: {  	[dreg:$0x6] =	wrdreg $0x9  }
0xb4: {  	_ =	task.clear_ibuf [dreg:s8], $0x7FFFF;
	_ =	strace $0x90000046  }
0xb5: {  	s29 =	simm.s32 $0x9;
	_ =	strace $0x80000048  }
0xb6: {  	_ =	swait.ge [sflag:s29], $0x1  }
0xb7: {  	[sflag:s29] =	ssyncadd.s32 $0xFFFFFFFF  }
0xb8: {  	_ =	strace $0x90000048  }
0xb9: {  	_ =	sfence  }
0xba: {  	s30 =	sld [smem:$0x0];
	_ =	sdelay $0x2  }
0xbb: {  	s31 =	sshll.u32 s1, $0xD;
	s1 =	sshrl.u32 s1, $0x2  }
0xbc: {  	s3 =	sand.u32 $0x4000, s31;
	s1 =	sadd.s32 s1, s30  }
0xbd: {  	s0 =	sor.u32 s3, s0;
	s1 =	sshll.u32 s1, $0x11  }
0xbe: {  	s0 =	sor.u32 s1, s0  }
0xbf: {  	s0 =	sadd.s32 $0x8F2B, s0  }
0xc0: {  	[sflag:s0] =	ssyncadd.remote.s32 $0x1  }
0xc1: {  	_ =	sfence.sel $0xFFFF  }
0xc2: {  	[dreg:$0x0] =	wrdreg $0xFFFFFFFF;
	(pc) =	sbr.abs _section_cstart, $3  }
0xc3: {  	[dreg:$0x1] =	wrdreg $0xFFFFFFFF  }
0xc4: {  	_ =	task.clear_ibuf [dreg:s8], $0x2FFFF;
	_ =	strace $0x9FFFFFFF  }
0xc5: {  	(tm) =	ssettm $0x7FFFFFFF  }
tec
execute0_lowered:
.L_overlay_start_1:
0x0: {  	(tag) =	ssettag $0x1  }
0x1: {  	s0 =	rddreg [dreg:$0x0]  }
0x2: {  	s9 =	rddreg [dreg:$0x1]  }
0x3: {  	s11 =	rddreg [dreg:$0x2]  }
0x4: {  	s2 =	rddreg [dreg:$0x3]  }
0x5: {  	s4 =	srdreg.scid;
	s1 =	stileid.u32  }
0x6: {  	s3 =	simm.s32 $0x0;
	s15 =	stileid.u32;
	s16 =	simm.s32 $0x4E90  }
0x7: {  	s17 =	simm.s32 $0x7610;
	s18 =	simm.s32 $0xC510;
	s19 =	simm.s32 $0x6  }
0x8: {  	s20 =	simm.s32 $0x1;
	s21 =	simm.s32 $0x2;
	s22 =	simm.s32 $0x3  }
0x9: {  	s23 =	simm.s32 $0x4;
	s24 =	simm.s32 $0x80;
	s25 =	simm.s32 $0x5  }
0xa: {  	s26 =	simm.s32 $0x0;
	s5 =	sand.u32 $0x1, s4;
	s12 =	smul.u32 $0x280, s1  }
0xb: {  	[smem:$0x7FF] =	sst s3;
	s7 =	sshll.u32 s1, $0x1;
	s4 =	sadd.s32 $0x600, s0  }
0xc: {  	p0 =	slt.u32 s1, $0x2;
	s6 =	smul.u32 $0x2800, s5;
	s7 =	sor.u32 s5, s7  }
0xd: {  	_ =	strace $0x80000047;
	s5 =	ssub.s32 $0x2, s5;
	s8 =	smul.u32 $0x4E, s7  }
0xe: {  	s10 =	sshrl.u32 s5, $0x1;
	s7 =	smin.u32 s7, $0x4;
	s6 =	sadd.s32 s12, s6  }
0xf: {  	s14 =	ssub.s32 s5, s10;
	s5 =	simm.s32 $0x4F;
	s12 =	sadd.s32 s12, s2  }
0x10: {  	s6 =	sshrl.u32 s6, $0x3;
	s31 =	sadd.s32 s7, s8;
	s5 =	simm.s32 @!p0 $0x4E  }
0x11: {  	s14 =	smax.u32 s14, $0x1;
	p0 =	sgt.u32 s1, $0x1;
	s8 =	sshll.u32 s31, $0x4  }
0x12: {  	s0 =	sadd.s32 s6, s0;
	s6 =	sadd.s32 s9, s8;
	s13 =	sadd.s32 $0x4E0, s8  }
0x13: {  	s8 =	sadd.s32 s11, s8;
	s7 =	sadd.s32 $0x9C40, s6;
	s9 =	sadd.s32 s9, s13  }
0x14: {  	v0 =	vimm.f32 $0.0e+00;
	s10 =	sadd.s32 $0xA120, s6;
	s11 =	sadd.s32 s11, s13;
	s13 =	sadd.s32 $0xC00, s0  }
.LBB2_1:
0x15: {  	[tilespmem:s3], [sflag:$0x1] =	stream.linear.gather [hbm4b:s4+s3], $0x2710, $0x38;
	[tilespmem:$0xCA10] =	vst v63  }
0x16: {  	s0 =	simm.s32 $0x2710  }
0x17: {  	[tilespmem:s0], [sflag:$0x2] =	stream.linear.gather [hbm4b:s6+s3], $0x2700, $0x38;
	[tilespmem:$0xCA10] =	vst v63  }
0x18: {  	_ = 	snop  }
0x19: {  	[tilespmem:s16], [sflag:$0x3] =	stream.linear.gather [hbm4b:s7+s3], $0x2700, $0x38;
	[tilespmem:$0xCA10] =	vst v63  }
0x1a: {  	_ = 	snop  }
0x1b: {  	[tilespmem:s17], [sflag:$0x4] =	stream.linear.gather [hbm4b:s8+s3], $0x2700, $0x38;
	[tilespmem:$0xCA10] =	vst v63  }
0x1c: {  	s28 =	simm.s32 @!p0 $0x4E10;
	s0 =	simm.s32 @!p0 $0x0  }
0x1d: {  	[tilespmem:s28], [sflag:$0x2] =	stream.linear.gather @!p0 [hbm4b:s9+s0], $0x80, $0x38;
	[tilespmem:$0xCA10] =	vst v63  }
0x1e: {  	s28 =	simm.s32 @!p0 $0x7590  }
0x1f: {  	[tilespmem:s28], [sflag:$0x3] =	stream.linear.gather @!p0 [hbm4b:s10+s0], $0x80, $0x38;
	[tilespmem:$0xCA10] =	vst v63  }
0x20: {  	s28 =	simm.s32 @!p0 $0x9D10  }
0x21: {  	[tilespmem:s28], [sflag:$0x4] =	stream.linear.gather @!p0 [hbm4b:s11+s0], $0x80, $0x38;
	[tilespmem:$0xCA10] =	vst v63  }
0x22: {  	[tilespmem:$0xC510] =	vst v0  }
0x23: {  	[tilespmem:$0xC520] =	vst v0  }
0x24: {  	[tilespmem:$0xC530] =	vst v0  }
0x25: {  	[tilespmem:$0xC540] =	vst v0  }
0x26: {  	[tilespmem:$0xC550] =	vst v0  }
0x27: {  	[tilespmem:$0xC560] =	vst v0  }
0x28: {  	[tilespmem:$0xC570] =	vst v0  }
0x29: {  	[tilespmem:$0xC580] =	vst v0  }
0x2a: {  	[tilespmem:$0xC590] =	vst v0  }
0x2b: {  	[tilespmem:$0xC5A0] =	vst v0  }
0x2c: {  	[tilespmem:$0xC5B0] =	vst v0  }
0x2d: {  	[tilespmem:$0xC5C0] =	vst v0  }
0x2e: {  	[tilespmem:$0xC5D0] =	vst v0  }
0x2f: {  	[tilespmem:$0xC5E0] =	vst v0  }
0x30: {  	[tilespmem:$0xC5F0] =	vst v0  }
0x31: {  	[tilespmem:$0xC600] =	vst v0  }
0x32: {  	[tilespmem:$0xC610] =	vst v0  }
0x33: {  	[tilespmem:$0xC620] =	vst v0  }
0x34: {  	[tilespmem:$0xC630] =	vst v0  }
0x35: {  	[tilespmem:$0xC640] =	vst v0  }
0x36: {  	[tilespmem:$0xC650] =	vst v0  }
0x37: {  	[tilespmem:$0xC660] =	vst v0  }
0x38: {  	[tilespmem:$0xC670] =	vst v0  }
0x39: {  	[tilespmem:$0xC680] =	vst v0  }
0x3a: {  	[tilespmem:$0xC690] =	vst v0  }
0x3b: {  	[tilespmem:$0xC6A0] =	vst v0  }
0x3c: {  	[tilespmem:$0xC6B0] =	vst v0  }
0x3d: {  	[tilespmem:$0xC6C0] =	vst v0  }
0x3e: {  	[tilespmem:$0xC6D0] =	vst v0  }
0x3f: {  	[tilespmem:$0xC6E0] =	vst v0  }
0x40: {  	[tilespmem:$0xC6F0] =	vst v0  }
0x41: {  	[tilespmem:$0xC700] =	vst v0  }
0x42: {  	[tilespmem:$0xC710] =	vst v0  }
0x43: {  	[tilespmem:$0xC720] =	vst v0  }
0x44: {  	[tilespmem:$0xC730] =	vst v0  }
0x45: {  	[tilespmem:$0xC740] =	vst v0  }
0x46: {  	[tilespmem:$0xC750] =	vst v0  }
0x47: {  	[tilespmem:$0xC760] =	vst v0  }
0x48: {  	[tilespmem:$0xC770] =	vst v0  }
0x49: {  	[tilespmem:$0xC780] =	vst v0  }
0x4a: {  	[spmem:s12] =	stream.linear.scatter [tilespmem:s18], [sflag:$0x6], $0x280, $0x38;
	[tilespmem:$0xCA10] =	vst v63  }
0x4b: {  	_ =	swait.ge [sflag:s19], $0x280  }
0x4c: {  	[sflag:s19] =	ssyncset.done $0x0  }
0x4d: {  	[sflag:s19] =	ssyncadd.s32 $0xFFFFFD80  }
0x4e: {  	_ =	swait.ge [sflag:s20], $0x2710  }
0x4f: {  	[sflag:s20] =	ssyncset.done $0x0  }
0x50: {  	[sflag:s20] =	ssyncadd.s32 $0xFFFFD8F0  }
0x51: {  	_ =	swait.ge [sflag:s21], $0x2700  }
0x52: {  	[sflag:s21] =	ssyncset.done $0x0  }
0x53: {  	[sflag:s21] =	ssyncadd.s32 $0xFFFFD900  }
0x54: {  	_ =	swait.ge [sflag:s22], $0x2700  }
0x55: {  	[sflag:s22] =	ssyncset.done $0x0  }
0x56: {  	[sflag:s22] =	ssyncadd.s32 $0xFFFFD900  }
0x57: {  	_ =	swait.ge [sflag:s23], $0x2700  }
0x58: {  	[sflag:s23] =	ssyncset.done $0x0  }
0x59: {  	s0 =	simm.s32 @!p0 $0x2;
	[sflag:s23] =	ssyncadd.s32 $0xFFFFD900  }
0x5a: {  	_ =	swait.ge @!p0 [sflag:s0], $0x80  }
0x5b: {  	[sflag:s0] =	ssyncset.done @!p0 $0x0  }
0x5c: {  	[sflag:s0] =	ssyncadd.s32 @!p0 $0xFFFFFF80;
	s0 =	simm.s32 @!p0 $0x3  }
0x5d: {  	_ =	swait.ge @!p0 [sflag:s0], $0x80  }
0x5e: {  	[sflag:s0] =	ssyncset.done @!p0 $0x0  }
0x5f: {  	[sflag:s0] =	ssyncadd.s32 @!p0 $0xFFFFFF80;
	s0 =	simm.s32 @!p0 $0x4  }
0x60: {  	_ =	swait.ge @!p0 [sflag:s0], $0x80  }
0x61: {  	s29 =	simm.s32 $0x2750;
	[sflag:s0] =	ssyncset.done @!p0 $0x0  }
0x62: {  	s30 =	simm.s32 $0x7650;
	s31 =	simm.s32 $0x4E90;
	[sflag:s0] =	ssyncadd.s32 @!p0 $0xFFFFFF80  }
0x63: {  	s28 =	simm.s32 $0x9D90;
	s0 =	simm.s32 $0x0;
	[bflag:$0x0] =	sbarrier.arrive $0xFFFF  }
.LBB2_2:
0x64: {  	v1 =	vld [tilespmem:s29+$0xFFFFFFC0];
	_ =	sdelay $0x6  }
0x65: {  	v2 =	vld [tilespmem:s30+$0xFFFFFFC0]  }
0x66: {  	v1 =	vld.idx.msk [tilespmem:v1+s3+$0x0], $0xffff;
	_ =	sdelay $0x4  }
0x67: {  	v1 =	vmul.f32 v2, v1;
	_ =	sdelay $0x1  }
0x68: {  	[tilespmem:s28+$0x0] =	vst v1  }
0x69: {  	v1 =	vld [tilespmem:s29+$0xFFFFFFD0];
	_ =	sdelay $0x6  }
0x6a: {  	v2 =	vld [tilespmem:s30+$0xFFFFFFD0]  }
0x6b: {  	v1 =	vld.idx.msk [tilespmem:v1+s3+$0x0], $0xffff;
	_ =	sdelay $0x4  }
0x6c: {  	v1 =	vmul.f32 v2, v1;
	_ =	sdelay $0x1  }
0x6d: {  	[tilespmem:s28+$0x10] =	vst v1  }
0x6e: {  	v1 =	vld [tilespmem:s29+$0xFFFFFFE0];
	_ =	sdelay $0x6  }
0x6f: {  	v2 =	vld [tilespmem:s30+$0xFFFFFFE0]  }
0x70: {  	v1 =	vld.idx.msk [tilespmem:v1+s3+$0x0], $0xffff;
	_ =	sdelay $0x4  }
0x71: {  	v1 =	vmul.f32 v2, v1;
	_ =	sdelay $0x1  }
0x72: {  	[tilespmem:s28+$0x20] =	vst v1  }
0x73: {  	v1 =	vld [tilespmem:s29+$0xFFFFFFF0];
	_ =	sdelay $0x6  }
0x74: {  	v2 =	vld [tilespmem:s30+$0xFFFFFFF0]  }
0x75: {  	v1 =	vld.idx.msk [tilespmem:v1+s3+$0x0], $0xffff;
	_ =	sdelay $0x4  }
0x76: {  	v1 =	vmul.f32 v2, v1;
	_ =	sdelay $0x1  }
0x77: {  	[tilespmem:s28+$0x30] =	vst v1  }
0x78: {  	v1 =	vld [tilespmem:s29+$0x0];
	_ =	sdelay $0x6  }
0x79: {  	v2 =	vld [tilespmem:s30+$0x0]  }
0x7a: {  	v1 =	vld.idx.msk [tilespmem:v1+s3+$0x0], $0xffff;
	_ =	sdelay $0x4  }
0x7b: {  	v1 =	vmul.f32 v2, v1;
	_ =	sdelay $0x1  }
0x7c: {  	[tilespmem:s28+$0x40] =	vst v1  }
0x7d: {  	v1 =	vld [tilespmem:s29+$0x10];
	_ =	sdelay $0x6  }
0x7e: {  	v2 =	vld [tilespmem:s30+$0x10]  }
0x7f: {  	v1 =	vld.idx.msk [tilespmem:v1+s3+$0x0], $0xffff;
	_ =	sdelay $0x4  }
0x80: {  	v1 =	vmul.f32 v2, v1;
	_ =	sdelay $0x1  }
0x81: {  	[tilespmem:s28+$0x50] =	vst v1  }
0x82: {  	v1 =	vld [tilespmem:s29+$0x20];
	_ =	sdelay $0x6  }
0x83: {  	v2 =	vld [tilespmem:s30+$0x20]  }
0x84: {  	v1 =	vld.idx.msk [tilespmem:v1+s3+$0x0], $0xffff;
	_ =	sdelay $0x4  }
0x85: {  	v1 =	vmul.f32 v2, v1;
	_ =	sdelay $0x1  }
0x86: {  	[tilespmem:s28+$0x60] =	vst v1  }
0x87: {  	v1 =	vld [tilespmem:s29+$0x30];
	_ =	sdelay $0x6  }
0x88: {  	v2 =	vld [tilespmem:s30+$0x30]  }
0x89: {  	v1 =	vld.idx.msk [tilespmem:v1+s3+$0x0], $0xffff;
	_ =	sdelay $0x4  }
0x8a: {  	v1 =	vmul.f32 v2, v1  }
0x8b: {  	p1 =	slt.u32 s0, $0x10  }
0x8c: {  	s1 =	simm.s32 @!p1 $0x5;
	[tilespmem:s28+$0x70] =	vst v1  }
0x8d: {  	[spmem:s2] =	stream.indirect.scatter.add.f32 [tilespmem:s28], [sflag:$0x5], $0x1, s31, s24, $0xb8;
	[tilespmem:$0xCA10] =	vst v63  }
0x8e: {  	_ =	swait.ge @!p1 [sflag:s1], $0x80  }
0x8f: {  	s0 =	sadd.s32 $0x1, s0;
	[sflag:s1] =	ssyncset.done @!p1 $0x0  }
0x90: {  	[sflag:s1] =	ssyncadd.s32 @!p1 $0xFFFFFF80;
	p1 =	sne.s32 s5, s0  }
.Ltmp0:
0x91: {  	_ = 	snop;
	(pc) =	sbr.rel @p1 .LBB2_2-.Ltmp0, $3  }
0x92: {  	_ =	sdelay $0x1  }
0x93: {  	s29 =	sadd.s32 $0x80, s29  }
0x94: {  	s30 =	sadd.s32 $0x80, s30;
	s31 =	sadd.s32 $0x80, s31;
	s28 =	sadd.s32 $0x80, s28  }
0x95: {  	_ =	swait.ge [sflag:s25], $0x80  }
0x96: {  	[sflag:s25] =	ssyncset.done $0x0  }
0x97: {  	[sflag:s25] =	ssyncadd.s32 $0xFFFFFF80  }
0x98: {  	_ =	swait.ge [sflag:s25], $0x80  }
0x99: {  	[sflag:s25] =	ssyncset.done $0x0  }
0x9a: {  	[sflag:s25] =	ssyncadd.s32 $0xFFFFFF80  }
0x9b: {  	_ =	swait.ge [sflag:s25], $0x80  }
0x9c: {  	[sflag:s25] =	ssyncset.done $0x0  }
0x9d: {  	[sflag:s25] =	ssyncadd.s32 $0xFFFFFF80  }
0x9e: {  	_ =	swait.ge [sflag:s25], $0x80  }
0x9f: {  	[sflag:s25] =	ssyncset.done $0x0  }
0xa0: {  	[sflag:s25] =	ssyncadd.s32 $0xFFFFFF80  }
0xa1: {  	_ =	swait.ge [sflag:s25], $0x80  }
0xa2: {  	[sflag:s25] =	ssyncset.done $0x0  }
0xa3: {  	[sflag:s25] =	ssyncadd.s32 $0xFFFFFF80  }
0xa4: {  	_ =	swait.ge [sflag:s25], $0x80  }
0xa5: {  	[sflag:s25] =	ssyncset.done $0x0  }
0xa6: {  	[sflag:s25] =	ssyncadd.s32 $0xFFFFFF80  }
0xa7: {  	_ =	swait.ge [sflag:s25], $0x80  }
0xa8: {  	[sflag:s25] =	ssyncset.done $0x0  }
0xa9: {  	[sflag:s25] =	ssyncadd.s32 $0xFFFFFF80  }
0xaa: {  	_ =	swait.ge [sflag:s25], $0x80  }
0xab: {  	[sflag:s25] =	ssyncset.done $0x0  }
0xac: {  	[sflag:s25] =	ssyncadd.s32 $0xFFFFFF80  }
0xad: {  	_ =	swait.ge [sflag:s25], $0x80  }
0xae: {  	[sflag:s25] =	ssyncset.done $0x0  }
0xaf: {  	[sflag:s25] =	ssyncadd.s32 $0xFFFFFF80  }
0xb0: {  	_ =	swait.ge [sflag:s25], $0x80  }
0xb1: {  	[sflag:s25] =	ssyncset.done $0x0  }
0xb2: {  	[sflag:s25] =	ssyncadd.s32 $0xFFFFFF80  }
0xb3: {  	_ =	swait.ge [sflag:s25], $0x80  }
0xb4: {  	[sflag:s25] =	ssyncset.done $0x0  }
0xb5: {  	[sflag:s25] =	ssyncadd.s32 $0xFFFFFF80  }
0xb6: {  	_ =	swait.ge [sflag:s25], $0x80  }
0xb7: {  	[sflag:s25] =	ssyncset.done $0x0  }
0xb8: {  	[sflag:s25] =	ssyncadd.s32 $0xFFFFFF80  }
0xb9: {  	_ =	swait.ge [sflag:s25], $0x80  }
0xba: {  	[sflag:s25] =	ssyncset.done $0x0  }
0xbb: {  	[sflag:s25] =	ssyncadd.s32 $0xFFFFFF80  }
0xbc: {  	_ =	swait.ge [sflag:s25], $0x80  }
0xbd: {  	[sflag:s25] =	ssyncset.done $0x0  }
0xbe: {  	[sflag:s25] =	ssyncadd.s32 $0xFFFFFF80  }
0xbf: {  	_ =	swait.ge [sflag:s25], $0x80  }
0xc0: {  	[sflag:s25] =	ssyncset.done $0x0  }
0xc1: {  	[sflag:s25] =	ssyncadd.s32 $0xFFFFFF80  }
0xc2: {  	_ =	swait.ge [sflag:s25], $0x80  }
0xc3: {  	s0 =	sshll.u32 s15, $0x6;
	s26 =	sadd.s32 $0x1, s26;
	[sflag:s25] =	ssyncset.done $0x0  }
0xc4: {  	s1 =	sshrl.u32 s12, $0x3;
	p1 =	sne.s32 s26, s14;
	[sflag:s25] =	ssyncadd.s32 $0xFFFFFF80  }
.Ltmp1:
0xc5: {  	s0 =	sor.u32 $0x1C06, s0;
	[bflag:$0x0] =	sbarrier.arrive $0xFFFF;
	(pc) =	sbr.rel @p1 .LBB2_1-.Ltmp1, $4  }
0xc6: {  	[hbm:s13], [sflag:s0] =	dma.local [spmem:s1], $0x50  }
0xc7: {  	_ =	swait.ge [sflag:s19], $0x50  }
0xc8: {  	[sflag:s19] =	ssyncset.done $0x0  }
0xc9: {  	[sflag:s19] =	ssyncadd.s32 $0xFFFFFFB0  }
0xca: {  	_ =	sfence.sel $0x180000  }
0xcb: {  	[bflag:$0x0] =	sbarrier.arrive $0xFFFF  }
0xcc: {  	_ =	strace $0x90000047  }
0xcd: {  	[bflag:$0x2] =	sbarrier.arrive $0xFFFF  }
0xce: {  	p0 =	sne.s32 s15, $0x0;
	s0 =	rddreg [dreg:$0x4]  }
0xcf: {  	s0 =	sadd.s32 @!p0 $0x100000, s0  }
0xd0: {  	[sflag:s0] =	ssyncadd.tile.s32 @!p0 $0x1;
	_ =	shalt  }
.Lfunc_end2:
_tile_overlayer_lowered:
.L_overlay_start_2:
0xd1: {  	(tag) =	ssettag $0x2  }
0xd2: {  	s0 =	rddreg [dreg:$0x0];
	s2 =	stileid.u32  }
0xd3: {  	s1 =	rddreg [dreg:$0x1];
	p0 =	sne.s32 s2, $0x0  }
0xd4: {  	s3 =	rddreg [dreg:$0x2];
	[bflag:$0x3] =	sbarrier.arrive $0xFFFF;
	s2 =	simm.s32 @!p0 $0x1C06  }
0xd5: {  	[timem:s3], [sflag:s2] =	dma.local @!p0 [hbm:s0], s1  }
0xd6: {  	s0 =	simm.s32 @!p0 $0x6  }
0xd7: {  	_ =	swait.ge @!p0 [sflag:s0], s1  }
0xd8: {  	s1 =	ssub.s32 @!p0 $0x0, s1;
	[sflag:s0] =	ssyncset.done @!p0 $0x0  }
0xd9: {  	[sflag:s0] =	ssyncadd.s32 @!p0 s1  }
0xda: {  	[bflag:$0x3] =	sbarrier.arrive $0xFFFF  }
0xdb: {  	_ =	shalt  }

</sc_bundles>
